<compile_context>
chip_gen: v7x
topology: tpu7x:2x2x1
jax: 0.10.2.dev20260603
libtpu: 0.0.44.dev20260713+nightly
codegen_flags: <defaults>
</compile_context>

<pallas_src>
import functools

import jax
import jax.numpy as jnp
import numpy as np
from jax import lax
from jax.experimental import pallas as pl
from jax.experimental.pallas import tpu as pltpu
from jax.experimental.pallas import tpu_sc as plsc

MAX_KPTS = 1024
NUM_PAIRS = 256
MAX_RADIUS = 16
NMS_RADIUS = 3
BLOCK_SIZE = 3
SINKHORN_ITERS = 20
EPSILON = 1.0
UNUSED_SCORE = 1.0
SCORE_THRESHOLD = 0.0

_rng = np.random.RandomState(42)
_PAIRS = _rng.randint(-MAX_RADIUS, MAX_RADIUS + 1, size=(NUM_PAIRS, 2, 2)).astype(np.float32)
_SOBEL_X = np.asarray([[-1., 0., 1.], [-2., 0., 2.], [-1., 0., 1.]], np.float32)
_SOBEL_Y = _SOBEL_X.T

_PAIRS_Y = np.concatenate([_PAIRS[:, 0, 0], _PAIRS[:, 1, 0]])
_PAIRS_X = np.concatenate([_PAIRS[:, 0, 1], _PAIRS[:, 1, 1]])

N1 = MAX_KPTS + 1
H = W = 512
B = 4
NCOMBO = 2 * B
ROWS_PER_IMG = H * W // 16
KPT_PER_SUBCORE = 256


def _conv2d(x, k):
    return jax.lax.conv_general_dilated(x, k[None, None], (1, 1), 'SAME')


def _shi_tomasi(img):
    ix = _conv2d(img, _SOBEL_X)
    iy = _conv2d(img, _SOBEL_Y)
    box = jnp.ones((BLOCK_SIZE, BLOCK_SIZE), jnp.float32) / float(BLOCK_SIZE * BLOCK_SIZE)
    ixx = _conv2d(ix * ix, box)
    iyy = _conv2d(iy * iy, box)
    ixy = _conv2d(ix * iy, box)
    tr = 0.5 * (ixx + iyy)
    rad = jnp.sqrt(jnp.maximum(0.25 * (ixx - iyy) ** 2 + ixy ** 2, 1e-12))
    return (tr - rad)[:, 0]


def _nms(scores):
    k = 2 * NMS_RADIUS + 1
    lm = jax.lax.reduce_window(scores, -jnp.inf, jax.lax.max, (1, k, k), (1, 1, 1),
                               [(0, 0), (NMS_RADIUS, NMS_RADIUS), (NMS_RADIUS, NMS_RADIUS)])
    return (scores >= lm - 1e-7).astype(jnp.float32)


def _select_topk(scores, nms_mask):
    b, h, w = scores.shape
    m = MAX_RADIUS
    yi = jnp.arange(h)
    xi = jnp.arange(w)
    yv = ((yi >= m) & (yi < h - m)).astype(jnp.float32)
    xv = ((xi >= m) & (xi < w - m)).astype(jnp.float32)
    border = yv[None, :, None] * xv[None, None, :]
    sm = scores * nms_mask * border
    sm = jnp.where(sm > SCORE_THRESHOLD, sm, jnp.zeros_like(sm))
    flat = sm.reshape(b, -1)
    ts, ti = jax.lax.top_k(flat, MAX_KPTS)
    y = (ti // w).astype(jnp.float32)
    x = (ti % w).astype(jnp.float32)
    kpts = jnp.stack([y, x], axis=-1)
    valid = (ts > 0).astype(jnp.float32)
    kpts = jnp.where(valid[..., None] > 0.5, kpts, -jnp.ones_like(kpts))
    return kpts, ts * valid




def _desc_body(imgs_hbm, ky_hbm, kx_hbm, py_hbm, px_hbm, out_hbm,
               idx_v, lane_v, rows0, rows1, rows2, rows3, d_buf, ky_v, kx_v,
               pairs_y_v, pairs_x_v, sem):
    c = lax.axis_index("c")
    s = lax.axis_index("s")
    wid = c * 16 + s
    combo = wid // 4
    gbase = combo * MAX_KPTS + (wid % 4) * KPT_PER_SUBCORE
    hbm_base = combo * ROWS_PER_IMG

    pltpu.sync_copy(py_hbm, pairs_y_v)
    pltpu.sync_copy(px_hbm, pairs_x_v)
    pltpu.sync_copy(ky_hbm.at[pl.ds(gbase, KPT_PER_SUBCORE)], ky_v)
    pltpu.sync_copy(kx_hbm.at[pl.ds(gbase, KPT_PER_SUBCORE)], kx_v)

    iota = lax.iota(jnp.int32, 16)
    rows = (rows0, rows1, rows2, rows3)

    def per_kpt(i, carry):
        bidx = jnp.full((16,), i, jnp.int32)
        kyb = plsc.load_gather(ky_v, [bidx])
        kxb = plsc.load_gather(kx_v, [bidx])
        for chunk in range(32):
            py = kyb + pairs_y_v[pl.ds(chunk * 16, 16)]
            px = kxb + pairs_x_v[pl.ds(chunk * 16, 16)]
            py = jnp.minimum(jnp.maximum(py, 0.0), float(H - 1))
            px = jnp.minimum(jnp.maximum(px, 0.0), float(W - 1))
            fp = py.astype(jnp.int32) * W + px.astype(jnp.int32)
            gr = (fp >> 4) + hbm_base
            ln = fp & 15
            idx_v[chunk // 8, pl.ds((chunk % 8) * 16, 16)] = gr
            lane_v[pl.ds(chunk * 16, 16)] = ln
        for j in range(4):
            pltpu.async_copy(imgs_hbm.at[idx_v.at[j]], rows[j], sem).wait()
        for c2 in range(16):
            r = iota + (c2 % 8) * 16
            l0 = lane_v[pl.ds(c2 * 16, 16)]
            l1 = lane_v[pl.ds(256 + c2 * 16, 16)]
            g0 = plsc.load_gather(rows[c2 // 8], [r, l0])
            g1 = plsc.load_gather(rows[2 + c2 // 8], [r, l1])
            d_buf[pl.ds(c2 * 16, 16)] = g0 - g1
        pltpu.sync_copy(d_buf,
                        out_hbm.at[pl.ds((gbase + i) * NUM_PAIRS, NUM_PAIRS)])
        return carry

    lax.fori_loop(0, KPT_PER_SUBCORE, per_kpt, 0)


def _bad_desc_sc(image1, image2, kpts1, kpts2):
    imgs = jnp.concatenate([image1.reshape(-1, 16), image2.reshape(-1, 16)])
    ky = jnp.concatenate([kpts1[..., 0].reshape(-1), kpts2[..., 0].reshape(-1)])
    kx = jnp.concatenate([kpts1[..., 1].reshape(-1), kpts2[..., 1].reshape(-1)])
    pyo = jnp.asarray(_PAIRS_Y)
    pxo = jnp.asarray(_PAIRS_X)

    kern = functools.partial(
        pl.kernel,
        mesh=plsc.VectorSubcoreMesh(core_axis_name="c", subcore_axis_name="s"),
        compiler_params=pltpu.CompilerParams(needs_layout_passes=False,
                                             use_tc_tiling_on_sc=False),
        out_type=jax.ShapeDtypeStruct((NCOMBO * MAX_KPTS * NUM_PAIRS,), jnp.float32),
        scratch_types=[
            pltpu.VMEM((4, 128), jnp.int32),
            pltpu.VMEM((512,), jnp.int32),
            pltpu.VMEM((128, 16), jnp.float32),
            pltpu.VMEM((128, 16), jnp.float32),
            pltpu.VMEM((128, 16), jnp.float32),
            pltpu.VMEM((128, 16), jnp.float32),
            pltpu.VMEM((NUM_PAIRS,), jnp.float32),
            pltpu.VMEM((KPT_PER_SUBCORE,), jnp.float32),
            pltpu.VMEM((KPT_PER_SUBCORE,), jnp.float32),
            pltpu.VMEM((512,), jnp.float32),
            pltpu.VMEM((512,), jnp.float32),
            pltpu.SemaphoreType.DMA,
        ],
    )(_desc_body)
    d = kern(imgs, ky, kx, pyo, pxo)
    d = d.reshape(NCOMBO, MAX_KPTS, NUM_PAIRS)
    return d[:B], d[B:]



_LOG_MU = -float(np.log(N1))


def _sinkhorn_body(d1_ref, d2_ref, out_ref, z_ref):
    d1r = d1_ref[0]
    d2r = d2_ref[0]
    ss1 = jnp.sum(d1r * d1r, axis=1, keepdims=True)
    ss2 = jnp.sum(d2r * d2r, axis=1, keepdims=True)
    d1 = d1r / jnp.sqrt(ss1 + 1e-12)
    d2 = d2r / jnp.sqrt(ss2 + 1e-12)
    g = jax.lax.dot_general(d1, d2, (((1,), (1,)), ((), ())),
                            preferred_element_type=jnp.float32)
    n1 = jnp.sum(d1 * d1, axis=1, keepdims=True)
    n2 = jnp.sum(d2 * d2, axis=1, keepdims=True)
    dist = jnp.sqrt(jnp.maximum(n1 + n2.T - 2.0 * g, 1e-12))
    z_ref[:, :] = jnp.full((N1, N1), UNUSED_SCORE / EPSILON, jnp.float32)
    z_ref[0:MAX_KPTS, 0:MAX_KPTS] = -dist / EPSILON

    z_ref[:, :] = jnp.exp(z_ref[:, :])
    ez = z_ref[:, :]

    def body(_, uv):
        u, v = uv
        u = _LOG_MU - jnp.log(jnp.sum(ez * jnp.exp(v), axis=1, keepdims=True))
        v = _LOG_MU - jnp.log(jnp.sum(ez * jnp.exp(u), axis=0, keepdims=True))
        return u, v

    u0 = jnp.zeros((N1, 1), jnp.float32)
    v0 = jnp.zeros((1, N1), jnp.float32)
    u, v = jax.lax.fori_loop(0, SINKHORN_ITERS, body, (u0, v0))
    out_ref[0] = ez * (jnp.exp(u) * jnp.exp(v))


def _sinkhorn_pallas(d1, d2):
    b = d1.shape[0]
    return pl.pallas_call(
        _sinkhorn_body,
        grid=(b,),
        in_specs=[
            pl.BlockSpec((1, MAX_KPTS, NUM_PAIRS), lambda i: (i, 0, 0)),
            pl.BlockSpec((1, MAX_KPTS, NUM_PAIRS), lambda i: (i, 0, 0)),
        ],
        out_specs=pl.BlockSpec((1, N1, N1), lambda i: (i, 0, 0)),
        out_shape=jax.ShapeDtypeStruct((b, N1, N1), jnp.float32),
        scratch_shapes=[pltpu.VMEM((N1, N1), jnp.float32)],
    )(d1, d2)


def kernel(image1, image2):
    s1 = _shi_tomasi(image1)
    s2 = _shi_tomasi(image2)
    kpts1, _ = _select_topk(s1, _nms(s1))
    kpts2, _ = _select_topk(s2, _nms(s2))
    d1, d2 = _bad_desc_sc(image1, image2, kpts1, kpts2)
    probs = _sinkhorn_pallas(d1, d2)
    return kpts1, kpts2, probs

# --- scband reference (transcript-rebuilt; emitter-appended) ---
"""Pipeline reference for scband-shi-tomasi-sparse-badsinkhorn-matcher-43026982371761 (READ-ONLY COPY).

The authoritative reference and input builder live on the scoring server;
editing this copy changes nothing except your own understanding.
"""

import jax, jax.numpy as jnp
import numpy as np
from jax.scipy.special import logsumexp

MAX_KPTS = 1024
NUM_PAIRS = 256
MAX_RADIUS = 16
NMS_RADIUS = 3
BLOCK_SIZE = 3
SINKHORN_ITERS = 20
EPSILON = 1.0
UNUSED_SCORE = 1.0
SCORE_THRESHOLD = 0.0

_rng = np.random.RandomState(42)
PAIRS = jnp.asarray(_rng.randint(-MAX_RADIUS, MAX_RADIUS + 1, size=(NUM_PAIRS, 2, 2)).astype(np.float32))
SOBEL_X = jnp.asarray([[-1., 0., 1.], [-2., 0., 2.], [-1., 0., 1.]], jnp.float32)
SOBEL_Y = SOBEL_X.T


def _conv2d(x, k):
    return jax.lax.conv_general_dilated(x, k[None, None], (1, 1), 'SAME')


def _shi_tomasi(img):
    ix = _conv2d(img, SOBEL_X)
    iy = _conv2d(img, SOBEL_Y)
    box = jnp.ones((BLOCK_SIZE, BLOCK_SIZE), jnp.float32) / float(BLOCK_SIZE * BLOCK_SIZE)
    ixx = _conv2d(ix * ix, box)
    iyy = _conv2d(iy * iy, box)
    ixy = _conv2d(ix * iy, box)
    tr = 0.5 * (ixx + iyy)
    rad = jnp.sqrt(jnp.maximum(0.25 * (ixx - iyy) ** 2 + ixy ** 2, 1e-12))
    return (tr - rad)[:, 0]


def _nms(scores):
    k = 2 * NMS_RADIUS + 1
    lm = jax.lax.reduce_window(scores, -jnp.inf, jax.lax.max, (1, k, k), (1, 1, 1),
                               [(0, 0), (NMS_RADIUS, NMS_RADIUS), (NMS_RADIUS, NMS_RADIUS)])
    return (scores >= lm - 1e-7).astype(jnp.float32)


def _select_topk(scores, nms_mask):
    b, h, w = scores.shape
    m = MAX_RADIUS
    yi = jnp.arange(h)
    xi = jnp.arange(w)
    yv = ((yi >= m) & (yi < h - m)).astype(jnp.float32)
    xv = ((xi >= m) & (xi < w - m)).astype(jnp.float32)
    border = yv[None, :, None] * xv[None, None, :]
    sm = scores * nms_mask * border
    sm = jnp.where(sm > SCORE_THRESHOLD, sm, jnp.zeros_like(sm))
    flat = sm.reshape(b, -1)
    ts, ti = jax.lax.top_k(flat, MAX_KPTS)
    y = (ti // w).astype(jnp.float32)
    x = (ti % w).astype(jnp.float32)
    kpts = jnp.stack([y, x], axis=-1)
    valid = (ts > 0).astype(jnp.float32)
    kpts = jnp.where(valid[..., None] > 0.5, kpts, -jnp.ones_like(kpts))
    return kpts, ts * valid


def _bad_desc(image, kpts):
    b, _, h, w = image.shape
    pos = kpts[:, :, None, None, :] + PAIRS[None, None]
    y = jnp.clip(jnp.round(pos[..., 0]), 0, h - 1).astype(jnp.int32)
    x = jnp.clip(jnp.round(pos[..., 1]), 0, w - 1).astype(jnp.int32)
    img = image[:, 0]
    vals = jax.vmap(lambda im, yy, xx: im[yy, xx])(img, y, x)
    d = vals[..., 0] - vals[..., 1]
    return d / jnp.sqrt(jnp.sum(d * d, axis=-1, keepdims=True) + 1e-12)


def _sinkhorn(d1, d2):
    n1 = jnp.sum(d1 * d1, axis=-1)
    n2 = jnp.sum(d2 * d2, axis=-1)
    dist = jnp.sqrt(jnp.maximum(n1[:, :, None] + n2[:, None, :] - 2.0 * jnp.einsum('bkd,bjd->bkj', d1, d2), 1e-12))
    sc = -dist
    b, k, _ = sc.shape
    sc = jnp.concatenate([sc, jnp.full((b, k, 1), UNUSED_SCORE, jnp.float32)], axis=2)
    sc = jnp.concatenate([sc, jnp.full((b, 1, k + 1), UNUSED_SCORE, jnp.float32)], axis=1)
    Z = sc / EPSILON
    log_mu = jnp.full((b, k + 1), -jnp.log(k + 1.0), jnp.float32)
    log_nu = log_mu
    u = jnp.zeros((b, k + 1), jnp.float32)
    v = jnp.zeros((b, k + 1), jnp.float32)
    for _ in range(SINKHORN_ITERS):
        u = log_mu - logsumexp(Z + v[:, None, :], axis=2)
        v = log_nu - logsumexp(Z + u[:, :, None], axis=1)
    return jnp.exp(Z + u[:, :, None] + v[:, None, :])


def setup_inputs(seed: int = 0) -> dict:
    key = jax.random.key(seed)
    k1, k2 = jax.random.split(key)
    return {
        'image1': jax.random.normal(k1, (4, 1, 512, 512), jnp.float32),
        'image2': jax.random.normal(k2, (4, 1, 512, 512), jnp.float32),
    }


def reference(image1, image2):
    s1 = _shi_tomasi(image1)
    s2 = _shi_tomasi(image2)
    kpts1, _ = _select_topk(s1, _nms(s1))
    kpts2, _ = _select_topk(s2, _nms(s2))
    d1 = _bad_desc(image1, kpts1)
    d2 = _bad_desc(image2, kpts2)
    probs = _sinkhorn(d1, d2)
    return kpts1, kpts2, probs

if __name__ == "__main__":
    import jax
    _d = setup_inputs()
    print(jax.jit(kernel)(*tuple(_d.values())))

</pallas_src>

<mosaic_0001>
#map = affine_map<(d0, d1) -> (0, 0)>
#map1 = affine_map<(d0, d1) -> (0)>
module attributes {stable_mosaic.version = 14 : i64} {
  func.func @_desc_body(%arg0: i32, %arg1: i32, %arg2: memref<131072x16xf32, #tpu.memory_space<hbm>>, %arg3: memref<8192xf32, #tpu.memory_space<hbm>>, %arg4: memref<8192xf32, #tpu.memory_space<hbm>>, %arg5: memref<512xf32, #tpu.memory_space<hbm>>, %arg6: memref<512xf32, #tpu.memory_space<hbm>>, %arg7: memref<2097152xf32, #tpu.memory_space<hbm>>, %arg8: memref<4x128xi32, #tpu.memory_space<vmem>>, %arg9: memref<512xi32, #tpu.memory_space<vmem>>, %arg10: memref<128x16xf32, #tpu.memory_space<vmem>>, %arg11: memref<128x16xf32, #tpu.memory_space<vmem>>, %arg12: memref<128x16xf32, #tpu.memory_space<vmem>>, %arg13: memref<128x16xf32, #tpu.memory_space<vmem>>, %arg14: memref<256xf32, #tpu.memory_space<vmem>>, %arg15: memref<256xf32, #tpu.memory_space<vmem>>, %arg16: memref<256xf32, #tpu.memory_space<vmem>>, %arg17: memref<512xf32, #tpu.memory_space<vmem>>, %arg18: memref<512xf32, #tpu.memory_space<vmem>>, %arg19: memref<!tpu.dma_semaphore, #tpu.memory_space<semaphore_mem>>) attributes {dimension_semantics = [#tpu.dimension_semantics<core_parallel>, #tpu.dimension_semantics<subcore_parallel>], iteration_bounds = array<i64: 2, 16>, scalar_prefetch = 0 : i64, scratch_operands = 12 : i64, tpu.core_type = #tpu.core_type<sc_vector_subcore>, window_params = [{transform_indices = #map}, {transform_indices = #map1}, {transform_indices = #map1}, {transform_indices = #map1}, {transform_indices = #map1}, {transform_indices = #map1}]} {
    %mul3A = arith.constant 16 : i32
    %mul3A_0 = arith.muli %arg0, %mul3A : i32
    %add3A = arith.addi %mul3A_0, %arg1 : i32
    %jit3A = arith.constant 4 : i32
    %div3A = arith.divsi %add3A, %jit3A : i32
    %sign3A = arith.constant 0 : i32
    %sign3A_1 = arith.cmpi sgt, %add3A, %sign3A : i32
    %sign3A_2 = arith.extui %sign3A_1 : i1 to i32
    %sign3A_3 = arith.constant 0 : i32
    %sign3A_4 = arith.cmpi slt, %add3A, %sign3A_3 : i32
    %sign3A_5 = arith.extui %sign3A_4 : i1 to i32
    %sign3A_6 = arith.subi %sign3A_2, %sign3A_5 : i32
    %sign3A_7 = arith.constant 0 : i32
    %sign3A_8 = arith.cmpi sgt, %jit3A, %sign3A_7 : i32
    %sign3A_9 = arith.extui %sign3A_8 : i1 to i32
    %sign3A_10 = arith.constant 0 : i32
    %sign3A_11 = arith.cmpi slt, %jit3A, %sign3A_10 : i32
    %sign3A_12 = arith.extui %sign3A_11 : i1 to i32
    %sign3A_13 = arith.subi %sign3A_9, %sign3A_12 : i32
    %ne3A = arith.cmpi ne, %sign3A_6, %sign3A_13 : i32
    %rem3A = arith.remsi %add3A, %jit3A : i32
    %ne3A_14 = arith.constant 0 : i32
    %ne3A_15 = arith.cmpi ne, %rem3A, %ne3A_14 : i32
    %and3A = arith.andi %ne3A, %ne3A_15 : i1
    %sub3A = arith.constant 1 : i32
    %sub3A_16 = arith.subi %div3A, %sub3A : i32
    %select_n3A = arith.select %and3A, %sub3A_16, %div3A : i32
    %mul3A_17 = arith.constant 1024 : i32
    %mul3A_18 = arith.muli %select_n3A, %mul3A_17 : i32
    %jit3A_19 = arith.constant 4 : i32
    %eq3A = arith.constant 0 : i32
    %eq3A_20 = arith.cmpi eq, %jit3A_19, %eq3A : i32
    %jit3A_21 = arith.constant 1 : i32
    %select_n3A_22 = arith.select %eq3A_20, %jit3A_21, %jit3A_19 : i32
    %rem3A_23 = arith.remsi %add3A, %select_n3A_22 : i32
    %ne3A_24 = arith.constant 0 : i32
    %ne3A_25 = arith.cmpi ne, %rem3A_23, %ne3A_24 : i32
    %lt3A = arith.constant 0 : i32
    %lt3A_26 = arith.cmpi slt, %rem3A_23, %lt3A : i32
    %lt3A_27 = arith.constant 0 : i32
    %lt3A_28 = arith.cmpi slt, %select_n3A_22, %lt3A_27 : i32
    %ne3A_29 = arith.xori %lt3A_26, %lt3A_28 : i1
    %and3A_30 = arith.andi %ne3A_29, %ne3A_25 : i1
    %add3A_31 = arith.addi %rem3A_23, %select_n3A_22 : i32
    %select_n3A_32 = arith.select %and3A_30, %add3A_31, %rem3A_23 : i32
    %mul3A_33 = arith.constant 256 : i32
    %mul3A_34 = arith.muli %select_n3A_32, %mul3A_33 : i32
    %add3A_35 = arith.addi %mul3A_18, %mul3A_34 : i32
    %mul3A_36 = arith.constant 16384 : i32
    %mul3A_37 = arith.muli %select_n3A, %mul3A_36 : i32
    "tpu.region"() ({
      %run_scoped3A = tpu.sem_alloc : memref<!tpu.dma_semaphore, #tpu.memory_space<semaphore_mem>>
      tpu.enqueue_dma source(%arg5 : memref<512xf32, #tpu.memory_space<hbm>>) target(%arg17 : memref<512xf32, #tpu.memory_space<vmem>>) target_semaphore(%run_scoped3A : memref<!tpu.dma_semaphore, #tpu.memory_space<semaphore_mem>>)
      tpu.wait_dma2 semaphore(%run_scoped3A : memref<!tpu.dma_semaphore, #tpu.memory_space<semaphore_mem>>) src(%arg5 : memref<512xf32, #tpu.memory_space<hbm>>) dst(%arg17 : memref<512xf32, #tpu.memory_space<vmem>>)
      tpu.yield
    }) : () -> ()
    "tpu.region"() ({
      %run_scoped3A = tpu.sem_alloc : memref<!tpu.dma_semaphore, #tpu.memory_space<semaphore_mem>>
      tpu.enqueue_dma source(%arg6 : memref<512xf32, #tpu.memory_space<hbm>>) target(%arg18 : memref<512xf32, #tpu.memory_space<vmem>>) target_semaphore(%run_scoped3A : memref<!tpu.dma_semaphore, #tpu.memory_space<semaphore_mem>>)
      tpu.wait_dma2 semaphore(%run_scoped3A : memref<!tpu.dma_semaphore, #tpu.memory_space<semaphore_mem>>) src(%arg6 : memref<512xf32, #tpu.memory_space<hbm>>) dst(%arg18 : memref<512xf32, #tpu.memory_space<vmem>>)
      tpu.yield
    }) : () -> ()
    "tpu.region"() ({
      %run_scoped3A = tpu.sem_alloc : memref<!tpu.dma_semaphore, #tpu.memory_space<semaphore_mem>>
      %dma_start3A = tpu.memref_slice %arg3[%add3A_35] : memref<8192xf32, #tpu.memory_space<hbm>> -> memref<256xf32, #tpu.memory_space<hbm>>
      %dma_start3A_43 = tpu.memref_slice %arg3[%add3A_35] : memref<8192xf32, #tpu.memory_space<hbm>> -> memref<256xf32, #tpu.memory_space<hbm>>
      tpu.enqueue_dma source(%dma_start3A_43 : memref<256xf32, #tpu.memory_space<hbm>>) target(%arg15 : memref<256xf32, #tpu.memory_space<vmem>>) target_semaphore(%run_scoped3A : memref<!tpu.dma_semaphore, #tpu.memory_space<semaphore_mem>>)
      %dma_wait3A = tpu.memref_slice %arg3[%add3A_35] : memref<8192xf32, #tpu.memory_space<hbm>> -> memref<256xf32, #tpu.memory_space<hbm>>
      %dma_wait3A_44 = tpu.memref_slice %arg3[%add3A_35] : memref<8192xf32, #tpu.memory_space<hbm>> -> memref<256xf32, #tpu.memory_space<hbm>>
      tpu.wait_dma2 semaphore(%run_scoped3A : memref<!tpu.dma_semaphore, #tpu.memory_space<semaphore_mem>>) src(%dma_wait3A_44 : memref<256xf32, #tpu.memory_space<hbm>>) dst(%arg15 : memref<256xf32, #tpu.memory_space<vmem>>)
      tpu.yield
    }) : () -> ()
    "tpu.region"() ({
      %run_scoped3A = tpu.sem_alloc : memref<!tpu.dma_semaphore, #tpu.memory_space<semaphore_mem>>
      %dma_start3A = tpu.memref_slice %arg4[%add3A_35] : memref<8192xf32, #tpu.memory_space<hbm>> -> memref<256xf32, #tpu.memory_space<hbm>>
      %dma_start3A_43 = tpu.memref_slice %arg4[%add3A_35] : memref<8192xf32, #tpu.memory_space<hbm>> -> memref<256xf32, #tpu.memory_space<hbm>>
      tpu.enqueue_dma source(%dma_start3A_43 : memref<256xf32, #tpu.memory_space<hbm>>) target(%arg16 : memref<256xf32, #tpu.memory_space<vmem>>) target_semaphore(%run_scoped3A : memref<!tpu.dma_semaphore, #tpu.memory_space<semaphore_mem>>)
      %dma_wait3A = tpu.memref_slice %arg4[%add3A_35] : memref<8192xf32, #tpu.memory_space<hbm>> -> memref<256xf32, #tpu.memory_space<hbm>>
      %dma_wait3A_44 = tpu.memref_slice %arg4[%add3A_35] : memref<8192xf32, #tpu.memory_space<hbm>> -> memref<256xf32, #tpu.memory_space<hbm>>
      tpu.wait_dma2 semaphore(%run_scoped3A : memref<!tpu.dma_semaphore, #tpu.memory_space<semaphore_mem>>) src(%dma_wait3A_44 : memref<256xf32, #tpu.memory_space<hbm>>) dst(%arg16 : memref<256xf32, #tpu.memory_space<vmem>>)
      tpu.yield
    }) : () -> ()
    %iota3A = tpu.iota {dimensions = array<i32: 0>} : vector<16xi32>
    %scan3A = arith.constant 0 : i32
    %scan3A_38 = arith.constant 0 : i32
    %scan3A_39 = arith.constant 256 : i32
    %scan3A_40 = arith.addi %scan3A_38, %scan3A_39 : i32
    %scan3A_41 = arith.constant 1 : i32
    scf.for %scan3A_43 = %scan3A_38 to %scan3A_40 step %scan3A_41  : i32 {
      %broadcast_in_dim3A = vector.broadcast %scan3A_43 : i32 to vector<16xi32>
      %gather3A = tpu.vector_load_idx %arg15[%broadcast_in_dim3A] : memref<256xf32, #tpu.memory_space<vmem>>[vector<16xi32>], vector<16xf32>,
      %gather3A_44 = tpu.vector_load_idx %arg16[%broadcast_in_dim3A] : memref<256xf32, #tpu.memory_space<vmem>>[vector<16xi32>], vector<16xf32>,
      %get3A = arith.constant 0 : index
      %get3A_45 = tpu.vector_load %arg17[%get3A] {strides = array<i32>} : memref<512xf32, #tpu.memory_space<vmem>>, vector<16xf32>,
      %add3A_46 = arith.addf %gather3A, %get3A_45 : vector<16xf32>
      %get3A_47 = arith.constant 0 : index
      %get3A_48 = tpu.vector_load %arg18[%get3A_47] {strides = array<i32>} : memref<512xf32, #tpu.memory_space<vmem>>, vector<16xf32>,
      %add3A_49 = arith.addf %gather3A_44, %get3A_48 : vector<16xf32>
      %max3A = arith.constant 0.000000e+00 : f32
      %max3A_50 = vector.broadcast %max3A : f32 to vector<16xf32>
      %max3A_51 = arith.maximumf %add3A_46, %max3A_50 : vector<16xf32>
      %min3A = arith.constant 5.110000e+02 : f32
      %min3A_52 = vector.broadcast %min3A : f32 to vector<16xf32>
      %min3A_53 = arith.minimumf %max3A_51, %min3A_52 : vector<16xf32>
      %max3A_54 = arith.constant 0.000000e+00 : f32
      %max3A_55 = vector.broadcast %max3A_54 : f32 to vector<16xf32>
      %max3A_56 = arith.maximumf %add3A_49, %max3A_55 : vector<16xf32>
      %min3A_57 = arith.constant 5.110000e+02 : f32
      %min3A_58 = vector.broadcast %min3A_57 : f32 to vector<16xf32>
      %min3A_59 = arith.minimumf %max3A_56, %min3A_58 : vector<16xf32>
      %convert_element_type3A = arith.fptosi %min3A_53 : vector<16xf32> to vector<16xi32>
      %mul3A_60 = arith.constant 512 : i32
      %mul3A_61 = vector.broadcast %mul3A_60 : i32 to vector<16xi32>
      %mul3A_62 = arith.muli %convert_element_type3A, %mul3A_61 : vector<16xi32>
      %convert_element_type3A_63 = arith.fptosi %min3A_59 : vector<16xf32> to vector<16xi32>
      %add3A_64 = arith.addi %mul3A_62, %convert_element_type3A_63 : vector<16xi32>
      %shift_right_arithmetic3A = arith.constant 4 : i32
      %shift_right_arithmetic3A_65 = vector.broadcast %shift_right_arithmetic3A : i32 to vector<16xi32>
      %shift_right_arithmetic3A_66 = arith.shrsi %add3A_64, %shift_right_arithmetic3A_65 : vector<16xi32>
      %add3A_67 = vector.broadcast %mul3A_37 : i32 to vector<16xi32>
      %add3A_68 = arith.addi %shift_right_arithmetic3A_66, %add3A_67 : vector<16xi32>
      %and3A_69 = arith.constant 15 : i32
      %and3A_70 = vector.broadcast %and3A_69 : i32 to vector<16xi32>
      %and3A_71 = arith.andi %add3A_64, %and3A_70 : vector<16xi32>
      %swap3A = arith.constant 0 : i32
      %swap3A_72 = arith.index_cast %swap3A : i32 to index
      %swap3A_73 = arith.constant 0 : index
      %swap3A_74 = tpu.vector_load %arg8[%swap3A_72, %swap3A_73] {strides = array<i32>} : memref<4x128xi32, #tpu.memory_space<vmem>>, vector<16xi32>,
      tpu.vector_store %arg8[%swap3A_72, %swap3A_73], %add3A_68 {strides = array<i32>} : memref<4x128xi32, #tpu.memory_space<vmem>>, vector<16xi32>,
      %swap3A_75 = arith.constant 0 : index
      %swap3A_76 = tpu.vector_load %arg9[%swap3A_75] {strides = array<i32>} : memref<512xi32, #tpu.memory_space<vmem>>, vector<16xi32>,
      tpu.vector_store %arg9[%swap3A_75], %and3A_71 {strides = array<i32>} : memref<512xi32, #tpu.memory_space<vmem>>, vector<16xi32>,
      %get3A_77 = arith.constant 16 : index
      %get3A_78 = tpu.vector_load %arg17[%get3A_77] {strides = array<i32>} : memref<512xf32, #tpu.memory_space<vmem>>, vector<16xf32>,
      %add3A_79 = arith.addf %gather3A, %get3A_78 : vector<16xf32>
      %get3A_80 = arith.constant 16 : index
      %get3A_81 = tpu.vector_load %arg18[%get3A_80] {strides = array<i32>} : memref<512xf32, #tpu.memory_space<vmem>>, vector<16xf32>,
      %add3A_82 = arith.addf %gather3A_44, %get3A_81 : vector<16xf32>
      %max3A_83 = arith.constant 0.000000e+00 : f32
      %max3A_84 = vector.broadcast %max3A_83 : f32 to vector<16xf32>
      %max3A_85 = arith.maximumf %add3A_79, %max3A_84 : vector<16xf32>
      %min3A_86 = arith.constant 5.110000e+02 : f32
      %min3A_87 = vector.broadcast %min3A_86 : f32 to vector<16xf32>
      %min3A_88 = arith.minimumf %max3A_85, %min3A_87 : vector<16xf32>
      %max3A_89 = arith.constant 0.000000e+00 : f32
      %max3A_90 = vector.broadcast %max3A_89 : f32 to vector<16xf32>
      %max3A_91 = arith.maximumf %add3A_82, %max3A_90 : vector<16xf32>
      %min3A_92 = arith.constant 5.110000e+02 : f32
      %min3A_93 = vector.broadcast %min3A_92 : f32 to vector<16xf32>
      %min3A_94 = arith.minimumf %max3A_91, %min3A_93 : vector<16xf32>
      %convert_element_type3A_95 = arith.fptosi %min3A_88 : vector<16xf32> to vector<16xi32>
      %mul3A_96 = arith.constant 512 : i32
      %mul3A_97 = vector.broadcast %mul3A_96 : i32 to vector<16xi32>
      %mul3A_98 = arith.muli %convert_element_type3A_95, %mul3A_97 : vector<16xi32>
      %convert_element_type3A_99 = arith.fptosi %min3A_94 : vector<16xf32> to vector<16xi32>
      %add3A_100 = arith.addi %mul3A_98, %convert_element_type3A_99 : vector<16xi32>
      %shift_right_arithmetic3A_101 = arith.constant 4 : i32
      %shift_right_arithmetic3A_102 = vector.broadcast %shift_right_arithmetic3A_101 : i32 to vector<16xi32>
      %shift_right_arithmetic3A_103 = arith.shrsi %add3A_100, %shift_right_arithmetic3A_102 : vector<16xi32>
      %add3A_104 = vector.broadcast %mul3A_37 : i32 to vector<16xi32>
      %add3A_105 = arith.addi %shift_right_arithmetic3A_103, %add3A_104 : vector<16xi32>
      %and3A_106 = arith.constant 15 : i32
      %and3A_107 = vector.broadcast %and3A_106 : i32 to vector<16xi32>
      %and3A_108 = arith.andi %add3A_100, %and3A_107 : vector<16xi32>
      %swap3A_109 = arith.constant 0 : i32
      %swap3A_110 = arith.index_cast %swap3A_109 : i32 to index
      %swap3A_111 = arith.constant 16 : index
      %swap3A_112 = tpu.vector_load %arg8[%swap3A_110, %swap3A_111] {strides = array<i32>} : memref<4x128xi32, #tpu.memory_space<vmem>>, vector<16xi32>,
      tpu.vector_store %arg8[%swap3A_110, %swap3A_111], %add3A_105 {strides = array<i32>} : memref<4x128xi32, #tpu.memory_space<vmem>>, vector<16xi32>,
      %swap3A_113 = arith.constant 16 : index
      %swap3A_114 = tpu.vector_load %arg9[%swap3A_113] {strides = array<i32>} : memref<512xi32, #tpu.memory_space<vmem>>, vector<16xi32>,
      tpu.vector_store %arg9[%swap3A_113], %and3A_108 {strides = array<i32>} : memref<512xi32, #tpu.memory_space<vmem>>, vector<16xi32>,
      %get3A_115 = arith.constant 32 : index
      %get3A_116 = tpu.vector_load %arg17[%get3A_115] {strides = array<i32>} : memref<512xf32, #tpu.memory_space<vmem>>, vector<16xf32>,
      %add3A_117 = arith.addf %gather3A, %get3A_116 : vector<16xf32>
      %get3A_118 = arith.constant 32 : index
      %get3A_119 = tpu.vector_load %arg18[%get3A_118] {strides = array<i32>} : memref<512xf32, #tpu.memory_space<vmem>>, vector<16xf32>,
      %add3A_120 = arith.addf %gather3A_44, %get3A_119 : vector<16xf32>
      %max3A_121 = arith.constant 0.000000e+00 : f32
      %max3A_122 = vector.broadcast %max3A_121 : f32 to vector<16xf32>
      %max3A_123 = arith.maximumf %add3A_117, %max3A_122 : vector<16xf32>
      %min3A_124 = arith.constant 5.110000e+02 : f32
      %min3A_125 = vector.broadcast %min3A_124 : f32 to vector<16xf32>
      %min3A_126 = arith.minimumf %max3A_123, %min3A_125 : vector<16xf32>
      %max3A_127 = arith.constant 0.000000e+00 : f32
      %max3A_128 = vector.broadcast %max3A_127 : f32 to vector<16xf32>
      %max3A_129 = arith.maximumf %add3A_120, %max3A_128 : vector<16xf32>
      %min3A_130 = arith.constant 5.110000e+02 : f32
      %min3A_131 = vector.broadcast %min3A_130 : f32 to vector<16xf32>
      %min3A_132 = arith.minimumf %max3A_129, %min3A_131 : vector<16xf32>
      %convert_element_type3A_133 = arith.fptosi %min3A_126 : vector<16xf32> to vector<16xi32>
      %mul3A_134 = arith.constant 512 : i32
      %mul3A_135 = vector.broadcast %mul3A_134 : i32 to vector<16xi32>
      %mul3A_136 = arith.muli %convert_element_type3A_133, %mul3A_135 : vector<16xi32>
      %convert_element_type3A_137 = arith.fptosi %min3A_132 : vector<16xf32> to vector<16xi32>
      %add3A_138 = arith.addi %mul3A_136, %convert_element_type3A_137 : vector<16xi32>
      %shift_right_arithmetic3A_139 = arith.constant 4 : i32
      %shift_right_arithmetic3A_140 = vector.broadcast %shift_right_arithmetic3A_139 : i32 to vector<16xi32>
      %shift_right_arithmetic3A_141 = arith.shrsi %add3A_138, %shift_right_arithmetic3A_140 : vector<16xi32>
      %add3A_142 = vector.broadcast %mul3A_37 : i32 to vector<16xi32>
      %add3A_143 = arith.addi %shift_right_arithmetic3A_141, %add3A_142 : vector<16xi32>
      %and3A_144 = arith.constant 15 : i32
      %and3A_145 = vector.broadcast %and3A_144 : i32 to vector<16xi32>
      %and3A_146 = arith.andi %add3A_138, %and3A_145 : vector<16xi32>
      %swap3A_147 = arith.constant 0 : i32
      %swap3A_148 = arith.index_cast %swap3A_147 : i32 to index
      %swap3A_149 = arith.constant 32 : index
      %swap3A_150 = tpu.vector_load %arg8[%swap3A_148, %swap3A_149] {strides = array<i32>} : memref<4x128xi32, #tpu.memory_space<vmem>>, vector<16xi32>,
      tpu.vector_store %arg8[%swap3A_148, %swap3A_149], %add3A_143 {strides = array<i32>} : memref<4x128xi32, #tpu.memory_space<vmem>>, vector<16xi32>,
      %swap3A_151 = arith.constant 32 : index
      %swap3A_152 = tpu.vector_load %arg9[%swap3A_151] {strides = array<i32>} : memref<512xi32, #tpu.memory_space<vmem>>, vector<16xi32>,
      tpu.vector_store %arg9[%swap3A_151], %and3A_146 {strides = array<i32>} : memref<512xi32, #tpu.memory_space<vmem>>, vector<16xi32>,
      %get3A_153 = arith.constant 48 : index
      %get3A_154 = tpu.vector_load %arg17[%get3A_153] {strides = array<i32>} : memref<512xf32, #tpu.memory_space<vmem>>, vector<16xf32>,
      %add3A_155 = arith.addf %gather3A, %get3A_154 : vector<16xf32>
      %get3A_156 = arith.constant 48 : index
      %get3A_157 = tpu.vector_load %arg18[%get3A_156] {strides = array<i32>} : memref<512xf32, #tpu.memory_space<vmem>>, vector<16xf32>,
      %add3A_158 = arith.addf %gather3A_44, %get3A_157 : vector<16xf32>
      %max3A_159 = arith.constant 0.000000e+00 : f32
      %max3A_160 = vector.broadcast %max3A_159 : f32 to vector<16xf32>
      %max3A_161 = arith.maximumf %add3A_155, %max3A_160 : vector<16xf32>
      %min3A_162 = arith.constant 5.110000e+02 : f32
      %min3A_163 = vector.broadcast %min3A_162 : f32 to vector<16xf32>
      %min3A_164 = arith.minimumf %max3A_161, %min3A_163 : vector<16xf32>
      %max3A_165 = arith.constant 0.000000e+00 : f32
      %max3A_166 = vector.broadcast %max3A_165 : f32 to vector<16xf32>
      %max3A_167 = arith.maximumf %add3A_158, %max3A_166 : vector<16xf32>
      %min3A_168 = arith.constant 5.110000e+02 : f32
      %min3A_169 = vector.broadcast %min3A_168 : f32 to vector<16xf32>
      %min3A_170 = arith.minimumf %max3A_167, %min3A_169 : vector<16xf32>
      %convert_element_type3A_171 = arith.fptosi %min3A_164 : vector<16xf32> to vector<16xi32>
      %mul3A_172 = arith.constant 512 : i32
      %mul3A_173 = vector.broadcast %mul3A_172 : i32 to vector<16xi32>
      %mul3A_174 = arith.muli %convert_element_type3A_171, %mul3A_173 : vector<16xi32>
      %convert_element_type3A_175 = arith.fptosi %min3A_170 : vector<16xf32> to vector<16xi32>
      %add3A_176 = arith.addi %mul3A_174, %convert_element_type3A_175 : vector<16xi32>
      %shift_right_arithmetic3A_177 = arith.constant 4 : i32
      %shift_right_arithmetic3A_178 = vector.broadcast %shift_right_arithmetic3A_177 : i32 to vector<16xi32>
      %shift_right_arithmetic3A_179 = arith.shrsi %add3A_176, %shift_right_arithmetic3A_178 : vector<16xi32>
      %add3A_180 = vector.broadcast %mul3A_37 : i32 to vector<16xi32>
      %add3A_181 = arith.addi %shift_right_arithmetic3A_179, %add3A_180 : vector<16xi32>
      %and3A_182 = arith.constant 15 : i32
      %and3A_183 = vector.broadcast %and3A_182 : i32 to vector<16xi32>
      %and3A_184 = arith.andi %add3A_176, %and3A_183 : vector<16xi32>
      %swap3A_185 = arith.constant 0 : i32
      %swap3A_186 = arith.index_cast %swap3A_185 : i32 to index
      %swap3A_187 = arith.constant 48 : index
      %swap3A_188 = tpu.vector_load %arg8[%swap3A_186, %swap3A_187] {strides = array<i32>} : memref<4x128xi32, #tpu.memory_space<vmem>>, vector<16xi32>,
      tpu.vector_store %arg8[%swap3A_186, %swap3A_187], %add3A_181 {strides = array<i32>} : memref<4x128xi32, #tpu.memory_space<vmem>>, vector<16xi32>,
      %swap3A_189 = arith.constant 48 : index
      %swap3A_190 = tpu.vector_load %arg9[%swap3A_189] {strides = array<i32>} : memref<512xi32, #tpu.memory_space<vmem>>, vector<16xi32>,
      tpu.vector_store %arg9[%swap3A_189], %and3A_184 {strides = array<i32>} : memref<512xi32, #tpu.memory_space<vmem>>, vector<16xi32>,
      %get3A_191 = arith.constant 64 : index
      %get3A_192 = tpu.vector_load %arg17[%get3A_191] {strides = array<i32>} : memref<512xf32, #tpu.memory_space<vmem>>, vector<16xf32>,
      %add3A_193 = arith.addf %gather3A, %get3A_192 : vector<16xf32>
      %get3A_194 = arith.constant 64 : index
      %get3A_195 = tpu.vector_load %arg18[%get3A_194] {strides = array<i32>} : memref<512xf32, #tpu.memory_space<vmem>>, vector<16xf32>,
      %add3A_196 = arith.addf %gather3A_44, %get3A_195 : vector<16xf32>
      %max3A_197 = arith.constant 0.000000e+00 : f32
      %max3A_198 = vector.broadcast %max3A_197 : f32 to vector<16xf32>
      %max3A_199 = arith.maximumf %add3A_193, %max3A_198 : vector<16xf32>
      %min3A_200 = arith.constant 5.110000e+02 : f32
      %min3A_201 = vector.broadcast %min3A_200 : f32 to vector<16xf32>
      %min3A_202 = arith.minimumf %max3A_199, %min3A_201 : vector<16xf32>
      %max3A_203 = arith.constant 0.000000e+00 : f32
      %max3A_204 = vector.broadcast %max3A_203 : f32 to vector<16xf32>
      %max3A_205 = arith.maximumf %add3A_196, %max3A_204 : vector<16xf32>
      %min3A_206 = arith.constant 5.110000e+02 : f32
      %min3A_207 = vector.broadcast %min3A_206 : f32 to vector<16xf32>
      %min3A_208 = arith.minimumf %max3A_205, %min3A_207 : vector<16xf32>
      %convert_element_type3A_209 = arith.fptosi %min3A_202 : vector<16xf32> to vector<16xi32>
      %mul3A_210 = arith.constant 512 : i32
      %mul3A_211 = vector.broadcast %mul3A_210 : i32 to vector<16xi32>
      %mul3A_212 = arith.muli %convert_element_type3A_209, %mul3A_211 : vector<16xi32>
      %convert_element_type3A_213 = arith.fptosi %min3A_208 : vector<16xf32> to vector<16xi32>
      %add3A_214 = arith.addi %mul3A_212, %convert_element_type3A_213 : vector<16xi32>
      %shift_right_arithmetic3A_215 = arith.constant 4 : i32
      %shift_right_arithmetic3A_216 = vector.broadcast %shift_right_arithmetic3A_215 : i32 to vector<16xi32>
      %shift_right_arithmetic3A_217 = arith.shrsi %add3A_214, %shift_right_arithmetic3A_216 : vector<16xi32>
      %add3A_218 = vector.broadcast %mul3A_37 : i32 to vector<16xi32>
      %add3A_219 = arith.addi %shift_right_arithmetic3A_217, %add3A_218 : vector<16xi32>
      %and3A_220 = arith.constant 15 : i32
      %and3A_221 = vector.broadcast %and3A_220 : i32 to vector<16xi32>
      %and3A_222 = arith.andi %add3A_214, %and3A_221 : vector<16xi32>
      %swap3A_223 = arith.constant 0 : i32
      %swap3A_224 = arith.index_cast %swap3A_223 : i32 to index
      %swap3A_225 = arith.constant 64 : index
      %swap3A_226 = tpu.vector_load %arg8[%swap3A_224, %swap3A_225] {strides = array<i32>} : memref<4x128xi32, #tpu.memory_space<vmem>>, vector<16xi32>,
      tpu.vector_store %arg8[%swap3A_224, %swap3A_225], %add3A_219 {strides = array<i32>} : memref<4x128xi32, #tpu.memory_space<vmem>>, vector<16xi32>,
      %swap3A_227 = arith.constant 64 : index
      %swap3A_228 = tpu.vector_load %arg9[%swap3A_227] {strides = array<i32>} : memref<512xi32, #tpu.memory_space<vmem>>, vector<16xi32>,
      tpu.vector_store %arg9[%swap3A_227], %and3A_222 {strides = array<i32>} : memref<512xi32, #tpu.memory_space<vmem>>, vector<16xi32>,
      %get3A_229 = arith.constant 80 : index
      %get3A_230 = tpu.vector_load %arg17[%get3A_229] {strides = array<i32>} : memref<512xf32, #tpu.memory_space<vmem>>, vector<16xf32>,
      %add3A_231 = arith.addf %gather3A, %get3A_230 : vector<16xf32>
      %get3A_232 = arith.constant 80 : index
      %get3A_233 = tpu.vector_load %arg18[%get3A_232] {strides = array<i32>} : memref<512xf32, #tpu.memory_space<vmem>>, vector<16xf32>,
      %add3A_234 = arith.addf %gather3A_44, %get3A_233 : vector<16xf32>
      %max3A_235 = arith.constant 0.000000e+00 : f32
      %max3A_236 = vector.broadcast %max3A_235 : f32 to vector<16xf32>
      %max3A_237 = arith.maximumf %add3A_231, %max3A_236 : vector<16xf32>
      %min3A_238 = arith.constant 5.110000e+02 : f32
      %min3A_239 = vector.broadcast %min3A_238 : f32 to vector<16xf32>
      %min3A_240 = arith.minimumf %max3A_237, %min3A_239 : vector<16xf32>
      %max3A_241 = arith.constant 0.000000e+00 : f32
      %max3A_242 = vector.broadcast %max3A_241 : f32 to vector<16xf32>
      %max3A_243 = arith.maximumf %add3A_234, %max3A_242 : vector<16xf32>
      %min3A_244 = arith.constant 5.110000e+02 : f32
      %min3A_245 = vector.broadcast %min3A_244 : f32 to vector<16xf32>
      %min3A_246 = arith.minimumf %max3A_243, %min3A_245 : vector<16xf32>
      %convert_element_type3A_247 = arith.fptosi %min3A_240 : vector<16xf32> to vector<16xi32>
      %mul3A_248 = arith.constant 512 : i32
      %mul3A_249 = vector.broadcast %mul3A_248 : i32 to vector<16xi32>
      %mul3A_250 = arith.muli %convert_element_type3A_247, %mul3A_249 : vector<16xi32>
      %convert_element_type3A_251 = arith.fptosi %min3A_246 : vector<16xf32> to vector<16xi32>
      %add3A_252 = arith.addi %mul3A_250, %convert_element_type3A_251 : vector<16xi32>
      %shift_right_arithmetic3A_253 = arith.constant 4 : i32
      %shift_right_arithmetic3A_254 = vector.broadcast %shift_right_arithmetic3A_253 : i32 to vector<16xi32>
      %shift_right_arithmetic3A_255 = arith.shrsi %add3A_252, %shift_right_arithmetic3A_254 : vector<16xi32>
      %add3A_256 = vector.broadcast %mul3A_37 : i32 to vector<16xi32>
      %add3A_257 = arith.addi %shift_right_arithmetic3A_255, %add3A_256 : vector<16xi32>
      %and3A_258 = arith.constant 15 : i32
      %and3A_259 = vector.broadcast %and3A_258 : i32 to vector<16xi32>
      %and3A_260 = arith.andi %add3A_252, %and3A_259 : vector<16xi32>
      %swap3A_261 = arith.constant 0 : i32
      %swap3A_262 = arith.index_cast %swap3A_261 : i32 to index
      %swap3A_263 = arith.constant 80 : index
      %swap3A_264 = tpu.vector_load %arg8[%swap3A_262, %swap3A_263] {strides = array<i32>} : memref<4x128xi32, #tpu.memory_space<vmem>>, vector<16xi32>,
      tpu.vector_store %arg8[%swap3A_262, %swap3A_263], %add3A_257 {strides = array<i32>} : memref<4x128xi32, #tpu.memory_space<vmem>>, vector<16xi32>,
      %swap3A_265 = arith.constant 80 : index
      %swap3A_266 = tpu.vector_load %arg9[%swap3A_265] {strides = array<i32>} : memref<512xi32, #tpu.memory_space<vmem>>, vector<16xi32>,
      tpu.vector_store %arg9[%swap3A_265], %and3A_260 {strides = array<i32>} : memref<512xi32, #tpu.memory_space<vmem>>, vector<16xi32>,
      %get3A_267 = arith.constant 96 : index
      %get3A_268 = tpu.vector_load %arg17[%get3A_267] {strides = array<i32>} : memref<512xf32, #tpu.memory_space<vmem>>, vector<16xf32>,
      %add3A_269 = arith.addf %gather3A, %get3A_268 : vector<16xf32>
      %get3A_270 = arith.constant 96 : index
      %get3A_271 = tpu.vector_load %arg18[%get3A_270] {strides = array<i32>} : memref<512xf32, #tpu.memory_space<vmem>>, vector<16xf32>,
      %add3A_272 = arith.addf %gather3A_44, %get3A_271 : vector<16xf32>
      %max3A_273 = arith.constant 0.000000e+00 : f32
      %max3A_274 = vector.broadcast %max3A_273 : f32 to vector<16xf32>
      %max3A_275 = arith.maximumf %add3A_269, %max3A_274 : vector<16xf32>
      %min3A_276 = arith.constant 5.110000e+02 : f32
      %min3A_277 = vector.broadcast %min3A_276 : f32 to vector<16xf32>
      %min3A_278 = arith.minimumf %max3A_275, %min3A_277 : vector<16xf32>
      %max3A_279 = arith.constant 0.000000e+00 : f32
      %max3A_280 = vector.broadcast %max3A_279 : f32 to vector<16xf32>
      %max3A_281 = arith.maximumf %add3A_272, %max3A_280 : vector<16xf32>
      %min3A_282 = arith.constant 5.110000e+02 : f32
      %min3A_283 = vector.broadcast %min3A_282 : f32 to vector<16xf32>
      %min3A_284 = arith.minimumf %max3A_281, %min3A_283 : vector<16xf32>
      %convert_element_type3A_285 = arith.fptosi %min3A_278 : vector<16xf32> to vector<16xi32>
      %mul3A_286 = arith.constant 512 : i32
      %mul3A_287 = vector.broadcast %mul3A_286 : i32 to vector<16xi32>
      %mul3A_288 = arith.muli %convert_element_type3A_285, %mul3A_287 : vector<16xi32>
      %convert_element_type3A_289 = arith.fptosi %min3A_284 : vector<16xf32> to vector<16xi32>
      %add3A_290 = arith.addi %mul3A_288, %convert_element_type3A_289 : vector<16xi32>
      %shift_right_arithmetic3A_291 = arith.constant 4 : i32
      %shift_right_arithmetic3A_292 = vector.broadcast %shift_right_arithmetic3A_291 : i32 to vector<16xi32>
      %shift_right_arithmetic3A_293 = arith.shrsi %add3A_290, %shift_right_arithmetic3A_292 : vector<16xi32>
      %add3A_294 = vector.broadcast %mul3A_37 : i32 to vector<16xi32>
      %add3A_295 = arith.addi %shift_right_arithmetic3A_293, %add3A_294 : vector<16xi32>
      %and3A_296 = arith.constant 15 : i32
      %and3A_297 = vector.broadcast %and3A_296 : i32 to vector<16xi32>
      %and3A_298 = arith.andi %add3A_290, %and3A_297 : vector<16xi32>
      %swap3A_299 = arith.constant 0 : i32
      %swap3A_300 = arith.index_cast %swap3A_299 : i32 to index
      %swap3A_301 = arith.constant 96 : index
      %swap3A_302 = tpu.vector_load %arg8[%swap3A_300, %swap3A_301] {strides = array<i32>} : memref<4x128xi32, #tpu.memory_space<vmem>>, vector<16xi32>,
      tpu.vector_store %arg8[%swap3A_300, %swap3A_301], %add3A_295 {strides = array<i32>} : memref<4x128xi32, #tpu.memory_space<vmem>>, vector<16xi32>,
      %swap3A_303 = arith.constant 96 : index
      %swap3A_304 = tpu.vector_load %arg9[%swap3A_303] {strides = array<i32>} : memref<512xi32, #tpu.memory_space<vmem>>, vector<16xi32>,
      tpu.vector_store %arg9[%swap3A_303], %and3A_298 {strides = array<i32>} : memref<512xi32, #tpu.memory_space<vmem>>, vector<16xi32>,
      %get3A_305 = arith.constant 112 : index
      %get3A_306 = tpu.vector_load %arg17[%get3A_305] {strides = array<i32>} : memref<512xf32, #tpu.memory_space<vmem>>, vector<16xf32>,
      %add3A_307 = arith.addf %gather3A, %get3A_306 : vector<16xf32>
      %get3A_308 = arith.constant 112 : index
      %get3A_309 = tpu.vector_load %arg18[%get3A_308] {strides = array<i32>} : memref<512xf32, #tpu.memory_space<vmem>>, vector<16xf32>,
      %add3A_310 = arith.addf %gather3A_44, %get3A_309 : vector<16xf32>
      %max3A_311 = arith.constant 0.000000e+00 : f32
      %max3A_312 = vector.broadcast %max3A_311 : f32 to vector<16xf32>
      %max3A_313 = arith.maximumf %add3A_307, %max3A_312 : vector<16xf32>
      %min3A_314 = arith.constant 5.110000e+02 : f32
      %min3A_315 = vector.broadcast %min3A_314 : f32 to vector<16xf32>
      %min3A_316 = arith.minimumf %max3A_313, %min3A_315 : vector<16xf32>
      %max3A_317 = arith.constant 0.000000e+00 : f32
      %max3A_318 = vector.broadcast %max3A_317 : f32 to vector<16xf32>
      %max3A_319 = arith.maximumf %add3A_310, %max3A_318 : vector<16xf32>
      %min3A_320 = arith.constant 5.110000e+02 : f32
      %min3A_321 = vector.broadcast %min3A_320 : f32 to vector<16xf32>
      %min3A_322 = arith.minimumf %max3A_319, %min3A_321 : vector<16xf32>
      %convert_element_type3A_323 = arith.fptosi %min3A_316 : vector<16xf32> to vector<16xi32>
      %mul3A_324 = arith.constant 512 : i32
      %mul3A_325 = vector.broadcast %mul3A_324 : i32 to vector<16xi32>
      %mul3A_326 = arith.muli %convert_element_type3A_323, %mul3A_325 : vector<16xi32>
      %convert_element_type3A_327 = arith.fptosi %min3A_322 : vector<16xf32> to vector<16xi32>
      %add3A_328 = arith.addi %mul3A_326, %convert_element_type3A_327 : vector<16xi32>
      %shift_right_arithmetic3A_329 = arith.constant 4 : i32
      %shift_right_arithmetic3A_330 = vector.broadcast %shift_right_arithmetic3A_329 : i32 to vector<16xi32>
      %shift_right_arithmetic3A_331 = arith.shrsi %add3A_328, %shift_right_arithmetic3A_330 : vector<16xi32>
      %add3A_332 = vector.broadcast %mul3A_37 : i32 to vector<16xi32>
      %add3A_333 = arith.addi %shift_right_arithmetic3A_331, %add3A_332 : vector<16xi32>
      %and3A_334 = arith.constant 15 : i32
      %and3A_335 = vector.broadcast %and3A_334 : i32 to vector<16xi32>
      %and3A_336 = arith.andi %add3A_328, %and3A_335 : vector<16xi32>
      %swap3A_337 = arith.constant 0 : i32
      %swap3A_338 = arith.index_cast %swap3A_337 : i32 to index
      %swap3A_339 = arith.constant 112 : index
      %swap3A_340 = tpu.vector_load %arg8[%swap3A_338, %swap3A_339] {strides = array<i32>} : memref<4x128xi32, #tpu.memory_space<vmem>>, vector<16xi32>,
      tpu.vector_store %arg8[%swap3A_338, %swap3A_339], %add3A_333 {strides = array<i32>} : memref<4x128xi32, #tpu.memory_space<vmem>>, vector<16xi32>,
      %swap3A_341 = arith.constant 112 : index
      %swap3A_342 = tpu.vector_load %arg9[%swap3A_341] {strides = array<i32>} : memref<512xi32, #tpu.memory_space<vmem>>, vector<16xi32>,
      tpu.vector_store %arg9[%swap3A_341], %and3A_336 {strides = array<i32>} : memref<512xi32, #tpu.memory_space<vmem>>, vector<16xi32>,
      %get3A_343 = arith.constant 128 : index
      %get3A_344 = tpu.vector_load %arg17[%get3A_343] {strides = array<i32>} : memref<512xf32, #tpu.memory_space<vmem>>, vector<16xf32>,
      %add3A_345 = arith.addf %gather3A, %get3A_344 : vector<16xf32>
      %get3A_346 = arith.constant 128 : index
      %get3A_347 = tpu.vector_load %arg18[%get3A_346] {strides = array<i32>} : memref<512xf32, #tpu.memory_space<vmem>>, vector<16xf32>,
      %add3A_348 = arith.addf %gather3A_44, %get3A_347 : vector<16xf32>
      %max3A_349 = arith.constant 0.000000e+00 : f32
      %max3A_350 = vector.broadcast %max3A_349 : f32 to vector<16xf32>
      %max3A_351 = arith.maximumf %add3A_345, %max3A_350 : vector<16xf32>
      %min3A_352 = arith.constant 5.110000e+02 : f32
      %min3A_353 = vector.broadcast %min3A_352 : f32 to vector<16xf32>
      %min3A_354 = arith.minimumf %max3A_351, %min3A_353 : vector<16xf32>
      %max3A_355 = arith.constant 0.000000e+00 : f32
      %max3A_356 = vector.broadcast %max3A_355 : f32 to vector<16xf32>
      %max3A_357 = arith.maximumf %add3A_348, %max3A_356 : vector<16xf32>
      %min3A_358 = arith.constant 5.110000e+02 : f32
      %min3A_359 = vector.broadcast %min3A_358 : f32 to vector<16xf32>
      %min3A_360 = arith.minimumf %max3A_357, %min3A_359 : vector<16xf32>
      %convert_element_type3A_361 = arith.fptosi %min3A_354 : vector<16xf32> to vector<16xi32>
      %mul3A_362 = arith.constant 512 : i32
      %mul3A_363 = vector.broadcast %mul3A_362 : i32 to vector<16xi32>
      %mul3A_364 = arith.muli %convert_element_type3A_361, %mul3A_363 : vector<16xi32>
      %convert_element_type3A_365 = arith.fptosi %min3A_360 : vector<16xf32> to vector<16xi32>
      %add3A_366 = arith.addi %mul3A_364, %convert_element_type3A_365 : vector<16xi32>
      %shift_right_arithmetic3A_367 = arith.constant 4 : i32
      %shift_right_arithmetic3A_368 = vector.broadcast %shift_right_arithmetic3A_367 : i32 to vector<16xi32>
      %shift_right_arithmetic3A_369 = arith.shrsi %add3A_366, %shift_right_arithmetic3A_368 : vector<16xi32>
      %add3A_370 = vector.broadcast %mul3A_37 : i32 to vector<16xi32>
      %add3A_371 = arith.addi %shift_right_arithmetic3A_369, %add3A_370 : vector<16xi32>
      %and3A_372 = arith.constant 15 : i32
      %and3A_373 = vector.broadcast %and3A_372 : i32 to vector<16xi32>
      %and3A_374 = arith.andi %add3A_366, %and3A_373 : vector<16xi32>
      %swap3A_375 = arith.constant 1 : i32
      %swap3A_376 = arith.index_cast %swap3A_375 : i32 to index
      %swap3A_377 = arith.constant 0 : index
      %swap3A_378 = tpu.vector_load %arg8[%swap3A_376, %swap3A_377] {strides = array<i32>} : memref<4x128xi32, #tpu.memory_space<vmem>>, vector<16xi32>,
      tpu.vector_store %arg8[%swap3A_376, %swap3A_377], %add3A_371 {strides = array<i32>} : memref<4x128xi32, #tpu.memory_space<vmem>>, vector<16xi32>,
      %swap3A_379 = arith.constant 128 : index
      %swap3A_380 = tpu.vector_load %arg9[%swap3A_379] {strides = array<i32>} : memref<512xi32, #tpu.memory_space<vmem>>, vector<16xi32>,
      tpu.vector_store %arg9[%swap3A_379], %and3A_374 {strides = array<i32>} : memref<512xi32, #tpu.memory_space<vmem>>, vector<16xi32>,
      %get3A_381 = arith.constant 144 : index
      %get3A_382 = tpu.vector_load %arg17[%get3A_381] {strides = array<i32>} : memref<512xf32, #tpu.memory_space<vmem>>, vector<16xf32>,
      %add3A_383 = arith.addf %gather3A, %get3A_382 : vector<16xf32>
      %get3A_384 = arith.constant 144 : index
      %get3A_385 = tpu.vector_load %arg18[%get3A_384] {strides = array<i32>} : memref<512xf32, #tpu.memory_space<vmem>>, vector<16xf32>,
      %add3A_386 = arith.addf %gather3A_44, %get3A_385 : vector<16xf32>
      %max3A_387 = arith.constant 0.000000e+00 : f32
      %max3A_388 = vector.broadcast %max3A_387 : f32 to vector<16xf32>
      %max3A_389 = arith.maximumf %add3A_383, %max3A_388 : vector<16xf32>
      %min3A_390 = arith.constant 5.110000e+02 : f32
      %min3A_391 = vector.broadcast %min3A_390 : f32 to vector<16xf32>
      %min3A_392 = arith.minimumf %max3A_389, %min3A_391 : vector<16xf32>
      %max3A_393 = arith.constant 0.000000e+00 : f32
      %max3A_394 = vector.broadcast %max3A_393 : f32 to vector<16xf32>
      %max3A_395 = arith.maximumf %add3A_386, %max3A_394 : vector<16xf32>
      %min3A_396 = arith.constant 5.110000e+02 : f32
      %min3A_397 = vector.broadcast %min3A_396 : f32 to vector<16xf32>
      %min3A_398 = arith.minimumf %max3A_395, %min3A_397 : vector<16xf32>
      %convert_element_type3A_399 = arith.fptosi %min3A_392 : vector<16xf32> to vector<16xi32>
      %mul3A_400 = arith.constant 512 : i32
      %mul3A_401 = vector.broadcast %mul3A_400 : i32 to vector<16xi32>
      %mul3A_402 = arith.muli %convert_element_type3A_399, %mul3A_401 : vector<16xi32>
      %convert_element_type3A_403 = arith.fptosi %min3A_398 : vector<16xf32> to vector<16xi32>
      %add3A_404 = arith.addi %mul3A_402, %convert_element_type3A_403 : vector<16xi32>
      %shift_right_arithmetic3A_405 = arith.constant 4 : i32
      %shift_right_arithmetic3A_406 = vector.broadcast %shift_right_arithmetic3A_405 : i32 to vector<16xi32>
      %shift_right_arithmetic3A_407 = arith.shrsi %add3A_404, %shift_right_arithmetic3A_406 : vector<16xi32>
      %add3A_408 = vector.broadcast %mul3A_37 : i32 to vector<16xi32>
      %add3A_409 = arith.addi %shift_right_arithmetic3A_407, %add3A_408 : vector<16xi32>
      %and3A_410 = arith.constant 15 : i32
      %and3A_411 = vector.broadcast %and3A_410 : i32 to vector<16xi32>
      %and3A_412 = arith.andi %add3A_404, %and3A_411 : vector<16xi32>
      %swap3A_413 = arith.constant 1 : i32
      %swap3A_414 = arith.index_cast %swap3A_413 : i32 to index
      %swap3A_415 = arith.constant 16 : index
      %swap3A_416 = tpu.vector_load %arg8[%swap3A_414, %swap3A_415] {strides = array<i32>} : memref<4x128xi32, #tpu.memory_space<vmem>>, vector<16xi32>,
      tpu.vector_store %arg8[%swap3A_414, %swap3A_415], %add3A_409 {strides = array<i32>} : memref<4x128xi32, #tpu.memory_space<vmem>>, vector<16xi32>,
      %swap3A_417 = arith.constant 144 : index
      %swap3A_418 = tpu.vector_load %arg9[%swap3A_417] {strides = array<i32>} : memref<512xi32, #tpu.memory_space<vmem>>, vector<16xi32>,
      tpu.vector_store %arg9[%swap3A_417], %and3A_412 {strides = array<i32>} : memref<512xi32, #tpu.memory_space<vmem>>, vector<16xi32>,
      %get3A_419 = arith.constant 160 : index
      %get3A_420 = tpu.vector_load %arg17[%get3A_419] {strides = array<i32>} : memref<512xf32, #tpu.memory_space<vmem>>, vector<16xf32>,
      %add3A_421 = arith.addf %gather3A, %get3A_420 : vector<16xf32>
      %get3A_422 = arith.constant 160 : index
      %get3A_423 = tpu.vector_load %arg18[%get3A_422] {strides = array<i32>} : memref<512xf32, #tpu.memory_space<vmem>>, vector<16xf32>,
      %add3A_424 = arith.addf %gather3A_44, %get3A_423 : vector<16xf32>
      %max3A_425 = arith.constant 0.000000e+00 : f32
      %max3A_426 = vector.broadcast %max3A_425 : f32 to vector<16xf32>
      %max3A_427 = arith.maximumf %add3A_421, %max3A_426 : vector<16xf32>
      %min3A_428 = arith.constant 5.110000e+02 : f32
      %min3A_429 = vector.broadcast %min3A_428 : f32 to vector<16xf32>
      %min3A_430 = arith.minimumf %max3A_427, %min3A_429 : vector<16xf32>
      %max3A_431 = arith.constant 0.000000e+00 : f32
      %max3A_432 = vector.broadcast %max3A_431 : f32 to vector<16xf32>
      %max3A_433 = arith.maximumf %add3A_424, %max3A_432 : vector<16xf32>
      %min3A_434 = arith.constant 5.110000e+02 : f32
      %min3A_435 = vector.broadcast %min3A_434 : f32 to vector<16xf32>
      %min3A_436 = arith.minimumf %max3A_433, %min3A_435 : vector<16xf32>
      %convert_element_type3A_437 = arith.fptosi %min3A_430 : vector<16xf32> to vector<16xi32>
      %mul3A_438 = arith.constant 512 : i32
      %mul3A_439 = vector.broadcast %mul3A_438 : i32 to vector<16xi32>
      %mul3A_440 = arith.muli %convert_element_type3A_437, %mul3A_439 : vector<16xi32>
      %convert_element_type3A_441 = arith.fptosi %min3A_436 : vector<16xf32> to vector<16xi32>
      %add3A_442 = arith.addi %mul3A_440, %convert_element_type3A_441 : vector<16xi32>
      %shift_right_arithmetic3A_443 = arith.constant 4 : i32
      %shift_right_arithmetic3A_444 = vector.broadcast %shift_right_arithmetic3A_443 : i32 to vector<16xi32>
      %shift_right_arithmetic3A_445 = arith.shrsi %add3A_442, %shift_right_arithmetic3A_444 : vector<16xi32>
      %add3A_446 = vector.broadcast %mul3A_37 : i32 to vector<16xi32>
      %add3A_447 = arith.addi %shift_right_arithmetic3A_445, %add3A_446 : vector<16xi32>
      %and3A_448 = arith.constant 15 : i32
      %and3A_449 = vector.broadcast %and3A_448 : i32 to vector<16xi32>
      %and3A_450 = arith.andi %add3A_442, %and3A_449 : vector<16xi32>
      %swap3A_451 = arith.constant 1 : i32
      %swap3A_452 = arith.index_cast %swap3A_451 : i32 to index
      %swap3A_453 = arith.constant 32 : index
      %swap3A_454 = tpu.vector_load %arg8[%swap3A_452, %swap3A_453] {strides = array<i32>} : memref<4x128xi32, #tpu.memory_space<vmem>>, vector<16xi32>,
      tpu.vector_store %arg8[%swap3A_452, %swap3A_453], %add3A_447 {strides = array<i32>} : memref<4x128xi32, #tpu.memory_space<vmem>>, vector<16xi32>,
      %swap3A_455 = arith.constant 160 : index
      %swap3A_456 = tpu.vector_load %arg9[%swap3A_455] {strides = array<i32>} : memref<512xi32, #tpu.memory_space<vmem>>, vector<16xi32>,
      tpu.vector_store %arg9[%swap3A_455], %and3A_450 {strides = array<i32>} : memref<512xi32, #tpu.memory_space<vmem>>, vector<16xi32>,
      %get3A_457 = arith.constant 176 : index
      %get3A_458 = tpu.vector_load %arg17[%get3A_457] {strides = array<i32>} : memref<512xf32, #tpu.memory_space<vmem>>, vector<16xf32>,
      %add3A_459 = arith.addf %gather3A, %get3A_458 : vector<16xf32>
      %get3A_460 = arith.constant 176 : index
      %get3A_461 = tpu.vector_load %arg18[%get3A_460] {strides = array<i32>} : memref<512xf32, #tpu.memory_space<vmem>>, vector<16xf32>,
      %add3A_462 = arith.addf %gather3A_44, %get3A_461 : vector<16xf32>
      %max3A_463 = arith.constant 0.000000e+00 : f32
      %max3A_464 = vector.broadcast %max3A_463 : f32 to vector<16xf32>
      %max3A_465 = arith.maximumf %add3A_459, %max3A_464 : vector<16xf32>
      %min3A_466 = arith.constant 5.110000e+02 : f32
      %min3A_467 = vector.broadcast %min3A_466 : f32 to vector<16xf32>
      %min3A_468 = arith.minimumf %max3A_465, %min3A_467 : vector<16xf32>
      %max3A_469 = arith.constant 0.000000e+00 : f32
      %max3A_470 = vector.broadcast %max3A_469 : f32 to vector<16xf32>
      %max3A_471 = arith.maximumf %add3A_462, %max3A_470 : vector<16xf32>
      %min3A_472 = arith.constant 5.110000e+02 : f32
      %min3A_473 = vector.broadcast %min3A_472 : f32 to vector<16xf32>
      %min3A_474 = arith.minimumf %max3A_471, %min3A_473 : vector<16xf32>
      %convert_element_type3A_475 = arith.fptosi %min3A_468 : vector<16xf32> to vector<16xi32>
      %mul3A_476 = arith.constant 512 : i32
      %mul3A_477 = vector.broadcast %mul3A_476 : i32 to vector<16xi32>
      %mul3A_478 = arith.muli %convert_element_type3A_475, %mul3A_477 : vector<16xi32>
      %convert_element_type3A_479 = arith.fptosi %min3A_474 : vector<16xf32> to vector<16xi32>
      %add3A_480 = arith.addi %mul3A_478, %convert_element_type3A_479 : vector<16xi32>
      %shift_right_arithmetic3A_481 = arith.constant 4 : i32
      %shift_right_arithmetic3A_482 = vector.broadcast %shift_right_arithmetic3A_481 : i32 to vector<16xi32>
      %shift_right_arithmetic3A_483 = arith.shrsi %add3A_480, %shift_right_arithmetic3A_482 : vector<16xi32>
      %add3A_484 = vector.broadcast %mul3A_37 : i32 to vector<16xi32>
      %add3A_485 = arith.addi %shift_right_arithmetic3A_483, %add3A_484 : vector<16xi32>
      %and3A_486 = arith.constant 15 : i32
      %and3A_487 = vector.broadcast %and3A_486 : i32 to vector<16xi32>
      %and3A_488 = arith.andi %add3A_480, %and3A_487 : vector<16xi32>
      %swap3A_489 = arith.constant 1 : i32
      %swap3A_490 = arith.index_cast %swap3A_489 : i32 to index
      %swap3A_491 = arith.constant 48 : index
      %swap3A_492 = tpu.vector_load %arg8[%swap3A_490, %swap3A_491] {strides = array<i32>} : memref<4x128xi32, #tpu.memory_space<vmem>>, vector<16xi32>,
      tpu.vector_store %arg8[%swap3A_490, %swap3A_491], %add3A_485 {strides = array<i32>} : memref<4x128xi32, #tpu.memory_space<vmem>>, vector<16xi32>,
      %swap3A_493 = arith.constant 176 : index
      %swap3A_494 = tpu.vector_load %arg9[%swap3A_493] {strides = array<i32>} : memref<512xi32, #tpu.memory_space<vmem>>, vector<16xi32>,
      tpu.vector_store %arg9[%swap3A_493], %and3A_488 {strides = array<i32>} : memref<512xi32, #tpu.memory_space<vmem>>, vector<16xi32>,
      %get3A_495 = arith.constant 192 : index
      %get3A_496 = tpu.vector_load %arg17[%get3A_495] {strides = array<i32>} : memref<512xf32, #tpu.memory_space<vmem>>, vector<16xf32>,
      %add3A_497 = arith.addf %gather3A, %get3A_496 : vector<16xf32>
      %get3A_498 = arith.constant 192 : index
      %get3A_499 = tpu.vector_load %arg18[%get3A_498] {strides = array<i32>} : memref<512xf32, #tpu.memory_space<vmem>>, vector<16xf32>,
      %add3A_500 = arith.addf %gather3A_44, %get3A_499 : vector<16xf32>
      %max3A_501 = arith.constant 0.000000e+00 : f32
      %max3A_502 = vector.broadcast %max3A_501 : f32 to vector<16xf32>
      %max3A_503 = arith.maximumf %add3A_497, %max3A_502 : vector<16xf32>
      %min3A_504 = arith.constant 5.110000e+02 : f32
      %min3A_505 = vector.broadcast %min3A_504 : f32 to vector<16xf32>
      %min3A_506 = arith.minimumf %max3A_503, %min3A_505 : vector<16xf32>
      %max3A_507 = arith.constant 0.000000e+00 : f32
      %max3A_508 = vector.broadcast %max3A_507 : f32 to vector<16xf32>
      %max3A_509 = arith.maximumf %add3A_500, %max3A_508 : vector<16xf32>
      %min3A_510 = arith.constant 5.110000e+02 : f32
      %min3A_511 = vector.broadcast %min3A_510 : f32 to vector<16xf32>
      %min3A_512 = arith.minimumf %max3A_509, %min3A_511 : vector<16xf32>
      %convert_element_type3A_513 = arith.fptosi %min3A_506 : vector<16xf32> to vector<16xi32>
      %mul3A_514 = arith.constant 512 : i32
      %mul3A_515 = vector.broadcast %mul3A_514 : i32 to vector<16xi32>
      %mul3A_516 = arith.muli %convert_element_type3A_513, %mul3A_515 : vector<16xi32>
      %convert_element_type3A_517 = arith.fptosi %min3A_512 : vector<16xf32> to vector<16xi32>
      %add3A_518 = arith.addi %mul3A_516, %convert_element_type3A_517 : vector<16xi32>
      %shift_right_arithmetic3A_519 = arith.constant 4 : i32
      %shift_right_arithmetic3A_520 = vector.broadcast %shift_right_arithmetic3A_519 : i32 to vector<16xi32>
      %shift_right_arithmetic3A_521 = arith.shrsi %add3A_518, %shift_right_arithmetic3A_520 : vector<16xi32>
      %add3A_522 = vector.broadcast %mul3A_37 : i32 to vector<16xi32>
      %add3A_523 = arith.addi %shift_right_arithmetic3A_521, %add3A_522 : vector<16xi32>
      %and3A_524 = arith.constant 15 : i32
      %and3A_525 = vector.broadcast %and3A_524 : i32 to vector<16xi32>
      %and3A_526 = arith.andi %add3A_518, %and3A_525 : vector<16xi32>
      %swap3A_527 = arith.constant 1 : i32
      %swap3A_528 = arith.index_cast %swap3A_527 : i32 to index
      %swap3A_529 = arith.constant 64 : index
      %swap3A_530 = tpu.vector_load %arg8[%swap3A_528, %swap3A_529] {strides = array<i32>} : memref<4x128xi32, #tpu.memory_space<vmem>>, vector<16xi32>,
      tpu.vector_store %arg8[%swap3A_528, %swap3A_529], %add3A_523 {strides = array<i32>} : memref<4x128xi32, #tpu.memory_space<vmem>>, vector<16xi32>,
      %swap3A_531 = arith.constant 192 : index
      %swap3A_532 = tpu.vector_load %arg9[%swap3A_531] {strides = array<i32>} : memref<512xi32, #tpu.memory_space<vmem>>, vector<16xi32>,
      tpu.vector_store %arg9[%swap3A_531], %and3A_526 {strides = array<i32>} : memref<512xi32, #tpu.memory_space<vmem>>, vector<16xi32>,
      %get3A_533 = arith.constant 208 : index
      %get3A_534 = tpu.vector_load %arg17[%get3A_533] {strides = array<i32>} : memref<512xf32, #tpu.memory_space<vmem>>, vector<16xf32>,
      %add3A_535 = arith.addf %gather3A, %get3A_534 : vector<16xf32>
      %get3A_536 = arith.constant 208 : index
      %get3A_537 = tpu.vector_load %arg18[%get3A_536] {strides = array<i32>} : memref<512xf32, #tpu.memory_space<vmem>>, vector<16xf32>,
      %add3A_538 = arith.addf %gather3A_44, %get3A_537 : vector<16xf32>
      %max3A_539 = arith.constant 0.000000e+00 : f32
      %max3A_540 = vector.broadcast %max3A_539 : f32 to vector<16xf32>
      %max3A_541 = arith.maximumf %add3A_535, %max3A_540 : vector<16xf32>
      %min3A_542 = arith.constant 5.110000e+02 : f32
      %min3A_543 = vector.broadcast %min3A_542 : f32 to vector<16xf32>
      %min3A_544 = arith.minimumf %max3A_541, %min3A_543 : vector<16xf32>
      %max3A_545 = arith.constant 0.000000e+00 : f32
      %max3A_546 = vector.broadcast %max3A_545 : f32 to vector<16xf32>
      %max3A_547 = arith.maximumf %add3A_538, %max3A_546 : vector<16xf32>
      %min3A_548 = arith.constant 5.110000e+02 : f32
      %min3A_549 = vector.broadcast %min3A_548 : f32 to vector<16xf32>
      %min3A_550 = arith.minimumf %max3A_547, %min3A_549 : vector<16xf32>
      %convert_element_type3A_551 = arith.fptosi %min3A_544 : vector<16xf32> to vector<16xi32>
      %mul3A_552 = arith.constant 512 : i32
      %mul3A_553 = vector.broadcast %mul3A_552 : i32 to vector<16xi32>
      %mul3A_554 = arith.muli %convert_element_type3A_551, %mul3A_553 : vector<16xi32>
      %convert_element_type3A_555 = arith.fptosi %min3A_550 : vector<16xf32> to vector<16xi32>
      %add3A_556 = arith.addi %mul3A_554, %convert_element_type3A_555 : vector<16xi32>
      %shift_right_arithmetic3A_557 = arith.constant 4 : i32
      %shift_right_arithmetic3A_558 = vector.broadcast %shift_right_arithmetic3A_557 : i32 to vector<16xi32>
      %shift_right_arithmetic3A_559 = arith.shrsi %add3A_556, %shift_right_arithmetic3A_558 : vector<16xi32>
      %add3A_560 = vector.broadcast %mul3A_37 : i32 to vector<16xi32>
      %add3A_561 = arith.addi %shift_right_arithmetic3A_559, %add3A_560 : vector<16xi32>
      %and3A_562 = arith.constant 15 : i32
      %and3A_563 = vector.broadcast %and3A_562 : i32 to vector<16xi32>
      %and3A_564 = arith.andi %add3A_556, %and3A_563 : vector<16xi32>
      %swap3A_565 = arith.constant 1 : i32
      %swap3A_566 = arith.index_cast %swap3A_565 : i32 to index
      %swap3A_567 = arith.constant 80 : index
      %swap3A_568 = tpu.vector_load %arg8[%swap3A_566, %swap3A_567] {strides = array<i32>} : memref<4x128xi32, #tpu.memory_space<vmem>>, vector<16xi32>,
      tpu.vector_store %arg8[%swap3A_566, %swap3A_567], %add3A_561 {strides = array<i32>} : memref<4x128xi32, #tpu.memory_space<vmem>>, vector<16xi32>,
      %swap3A_569 = arith.constant 208 : index
      %swap3A_570 = tpu.vector_load %arg9[%swap3A_569] {strides = array<i32>} : memref<512xi32, #tpu.memory_space<vmem>>, vector<16xi32>,
      tpu.vector_store %arg9[%swap3A_569], %and3A_564 {strides = array<i32>} : memref<512xi32, #tpu.memory_space<vmem>>, vector<16xi32>,
      %get3A_571 = arith.constant 224 : index
      %get3A_572 = tpu.vector_load %arg17[%get3A_571] {strides = array<i32>} : memref<512xf32, #tpu.memory_space<vmem>>, vector<16xf32>,
      %add3A_573 = arith.addf %gather3A, %get3A_572 : vector<16xf32>
      %get3A_574 = arith.constant 224 : index
      %get3A_575 = tpu.vector_load %arg18[%get3A_574] {strides = array<i32>} : memref<512xf32, #tpu.memory_space<vmem>>, vector<16xf32>,
      %add3A_576 = arith.addf %gather3A_44, %get3A_575 : vector<16xf32>
      %max3A_577 = arith.constant 0.000000e+00 : f32
      %max3A_578 = vector.broadcast %max3A_577 : f32 to vector<16xf32>
      %max3A_579 = arith.maximumf %add3A_573, %max3A_578 : vector<16xf32>
      %min3A_580 = arith.constant 5.110000e+02 : f32
      %min3A_581 = vector.broadcast %min3A_580 : f32 to vector<16xf32>
      %min3A_582 = arith.minimumf %max3A_579, %min3A_581 : vector<16xf32>
      %max3A_583 = arith.constant 0.000000e+00 : f32
      %max3A_584 = vector.broadcast %max3A_583 : f32 to vector<16xf32>
      %max3A_585 = arith.maximumf %add3A_576, %max3A_584 : vector<16xf32>
      %min3A_586 = arith.constant 5.110000e+02 : f32
      %min3A_587 = vector.broadcast %min3A_586 : f32 to vector<16xf32>
      %min3A_588 = arith.minimumf %max3A_585, %min3A_587 : vector<16xf32>
      %convert_element_type3A_589 = arith.fptosi %min3A_582 : vector<16xf32> to vector<16xi32>
      %mul3A_590 = arith.constant 512 : i32
      %mul3A_591 = vector.broadcast %mul3A_590 : i32 to vector<16xi32>
      %mul3A_592 = arith.muli %convert_element_type3A_589, %mul3A_591 : vector<16xi32>
      %convert_element_type3A_593 = arith.fptosi %min3A_588 : vector<16xf32> to vector<16xi32>
      %add3A_594 = arith.addi %mul3A_592, %convert_element_type3A_593 : vector<16xi32>
      %shift_right_arithmetic3A_595 = arith.constant 4 : i32
      %shift_right_arithmetic3A_596 = vector.broadcast %shift_right_arithmetic3A_595 : i32 to vector<16xi32>
      %shift_right_arithmetic3A_597 = arith.shrsi %add3A_594, %shift_right_arithmetic3A_596 : vector<16xi32>
      %add3A_598 = vector.broadcast %mul3A_37 : i32 to vector<16xi32>
      %add3A_599 = arith.addi %shift_right_arithmetic3A_597, %add3A_598 : vector<16xi32>
      %and3A_600 = arith.constant 15 : i32
      %and3A_601 = vector.broadcast %and3A_600 : i32 to vector<16xi32>
      %and3A_602 = arith.andi %add3A_594, %and3A_601 : vector<16xi32>
      %swap3A_603 = arith.constant 1 : i32
      %swap3A_604 = arith.index_cast %swap3A_603 : i32 to index
      %swap3A_605 = arith.constant 96 : index
      %swap3A_606 = tpu.vector_load %arg8[%swap3A_604, %swap3A_605] {strides = array<i32>} : memref<4x128xi32, #tpu.memory_space<vmem>>, vector<16xi32>,
      tpu.vector_store %arg8[%swap3A_604, %swap3A_605], %add3A_599 {strides = array<i32>} : memref<4x128xi32, #tpu.memory_space<vmem>>, vector<16xi32>,
      %swap3A_607 = arith.constant 224 : index
      %swap3A_608 = tpu.vector_load %arg9[%swap3A_607] {strides = array<i32>} : memref<512xi32, #tpu.memory_space<vmem>>, vector<16xi32>,
      tpu.vector_store %arg9[%swap3A_607], %and3A_602 {strides = array<i32>} : memref<512xi32, #tpu.memory_space<vmem>>, vector<16xi32>,
      %get3A_609 = arith.constant 240 : index
      %get3A_610 = tpu.vector_load %arg17[%get3A_609] {strides = array<i32>} : memref<512xf32, #tpu.memory_space<vmem>>, vector<16xf32>,
      %add3A_611 = arith.addf %gather3A, %get3A_610 : vector<16xf32>
      %get3A_612 = arith.constant 240 : index
      %get3A_613 = tpu.vector_load %arg18[%get3A_612] {strides = array<i32>} : memref<512xf32, #tpu.memory_space<vmem>>, vector<16xf32>,
      %add3A_614 = arith.addf %gather3A_44, %get3A_613 : vector<16xf32>
      %max3A_615 = arith.constant 0.000000e+00 : f32
      %max3A_616 = vector.broadcast %max3A_615 : f32 to vector<16xf32>
      %max3A_617 = arith.maximumf %add3A_611, %max3A_616 : vector<16xf32>
      %min3A_618 = arith.constant 5.110000e+02 : f32
      %min3A_619 = vector.broadcast %min3A_618 : f32 to vector<16xf32>
      %min3A_620 = arith.minimumf %max3A_617, %min3A_619 : vector<16xf32>
      %max3A_621 = arith.constant 0.000000e+00 : f32
      %max3A_622 = vector.broadcast %max3A_621 : f32 to vector<16xf32>
      %max3A_623 = arith.maximumf %add3A_614, %max3A_622 : vector<16xf32>
      %min3A_624 = arith.constant 5.110000e+02 : f32
      %min3A_625 = vector.broadcast %min3A_624 : f32 to vector<16xf32>
      %min3A_626 = arith.minimumf %max3A_623, %min3A_625 : vector<16xf32>
      %convert_element_type3A_627 = arith.fptosi %min3A_620 : vector<16xf32> to vector<16xi32>
      %mul3A_628 = arith.constant 512 : i32
      %mul3A_629 = vector.broadcast %mul3A_628 : i32 to vector<16xi32>
      %mul3A_630 = arith.muli %convert_element_type3A_627, %mul3A_629 : vector<16xi32>
      %convert_element_type3A_631 = arith.fptosi %min3A_626 : vector<16xf32> to vector<16xi32>
      %add3A_632 = arith.addi %mul3A_630, %convert_element_type3A_631 : vector<16xi32>
      %shift_right_arithmetic3A_633 = arith.constant 4 : i32
      %shift_right_arithmetic3A_634 = vector.broadcast %shift_right_arithmetic3A_633 : i32 to vector<16xi32>
      %shift_right_arithmetic3A_635 = arith.shrsi %add3A_632, %shift_right_arithmetic3A_634 : vector<16xi32>
      %add3A_636 = vector.broadcast %mul3A_37 : i32 to vector<16xi32>
      %add3A_637 = arith.addi %shift_right_arithmetic3A_635, %add3A_636 : vector<16xi32>
      %and3A_638 = arith.constant 15 : i32
      %and3A_639 = vector.broadcast %and3A_638 : i32 to vector<16xi32>
      %and3A_640 = arith.andi %add3A_632, %and3A_639 : vector<16xi32>
      %swap3A_641 = arith.constant 1 : i32
      %swap3A_642 = arith.index_cast %swap3A_641 : i32 to index
      %swap3A_643 = arith.constant 112 : index
      %swap3A_644 = tpu.vector_load %arg8[%swap3A_642, %swap3A_643] {strides = array<i32>} : memref<4x128xi32, #tpu.memory_space<vmem>>, vector<16xi32>,
      tpu.vector_store %arg8[%swap3A_642, %swap3A_643], %add3A_637 {strides = array<i32>} : memref<4x128xi32, #tpu.memory_space<vmem>>, vector<16xi32>,
      %swap3A_645 = arith.constant 240 : index
      %swap3A_646 = tpu.vector_load %arg9[%swap3A_645] {strides = array<i32>} : memref<512xi32, #tpu.memory_space<vmem>>, vector<16xi32>,
      tpu.vector_store %arg9[%swap3A_645], %and3A_640 {strides = array<i32>} : memref<512xi32, #tpu.memory_space<vmem>>, vector<16xi32>,
      %get3A_647 = arith.constant 256 : index
      %get3A_648 = tpu.vector_load %arg17[%get3A_647] {strides = array<i32>} : memref<512xf32, #tpu.memory_space<vmem>>, vector<16xf32>,
      %add3A_649 = arith.addf %gather3A, %get3A_648 : vector<16xf32>
      %get3A_650 = arith.constant 256 : index
      %get3A_651 = tpu.vector_load %arg18[%get3A_650] {strides = array<i32>} : memref<512xf32, #tpu.memory_space<vmem>>, vector<16xf32>,
      %add3A_652 = arith.addf %gather3A_44, %get3A_651 : vector<16xf32>
      %max3A_653 = arith.constant 0.000000e+00 : f32
      %max3A_654 = vector.broadcast %max3A_653 : f32 to vector<16xf32>
      %max3A_655 = arith.maximumf %add3A_649, %max3A_654 : vector<16xf32>
      %min3A_656 = arith.constant 5.110000e+02 : f32
      %min3A_657 = vector.broadcast %min3A_656 : f32 to vector<16xf32>
      %min3A_658 = arith.minimumf %max3A_655, %min3A_657 : vector<16xf32>
      %max3A_659 = arith.constant 0.000000e+00 : f32
      %max3A_660 = vector.broadcast %max3A_659 : f32 to vector<16xf32>
      %max3A_661 = arith.maximumf %add3A_652, %max3A_660 : vector<16xf32>
      %min3A_662 = arith.constant 5.110000e+02 : f32
      %min3A_663 = vector.broadcast %min3A_662 : f32 to vector<16xf32>
      %min3A_664 = arith.minimumf %max3A_661, %min3A_663 : vector<16xf32>
      %convert_element_type3A_665 = arith.fptosi %min3A_658 : vector<16xf32> to vector<16xi32>
      %mul3A_666 = arith.constant 512 : i32
      %mul3A_667 = vector.broadcast %mul3A_666 : i32 to vector<16xi32>
      %mul3A_668 = arith.muli %convert_element_type3A_665, %mul3A_667 : vector<16xi32>
      %convert_element_type3A_669 = arith.fptosi %min3A_664 : vector<16xf32> to vector<16xi32>
      %add3A_670 = arith.addi %mul3A_668, %convert_element_type3A_669 : vector<16xi32>
      %shift_right_arithmetic3A_671 = arith.constant 4 : i32
      %shift_right_arithmetic3A_672 = vector.broadcast %shift_right_arithmetic3A_671 : i32 to vector<16xi32>
      %shift_right_arithmetic3A_673 = arith.shrsi %add3A_670, %shift_right_arithmetic3A_672 : vector<16xi32>
      %add3A_674 = vector.broadcast %mul3A_37 : i32 to vector<16xi32>
      %add3A_675 = arith.addi %shift_right_arithmetic3A_673, %add3A_674 : vector<16xi32>
      %and3A_676 = arith.constant 15 : i32
      %and3A_677 = vector.broadcast %and3A_676 : i32 to vector<16xi32>
      %and3A_678 = arith.andi %add3A_670, %and3A_677 : vector<16xi32>
      %swap3A_679 = arith.constant 2 : i32
      %swap3A_680 = arith.index_cast %swap3A_679 : i32 to index
      %swap3A_681 = arith.constant 0 : index
      %swap3A_682 = tpu.vector_load %arg8[%swap3A_680, %swap3A_681] {strides = array<i32>} : memref<4x128xi32, #tpu.memory_space<vmem>>, vector<16xi32>,
      tpu.vector_store %arg8[%swap3A_680, %swap3A_681], %add3A_675 {strides = array<i32>} : memref<4x128xi32, #tpu.memory_space<vmem>>, vector<16xi32>,
      %swap3A_683 = arith.constant 256 : index
      %swap3A_684 = tpu.vector_load %arg9[%swap3A_683] {strides = array<i32>} : memref<512xi32, #tpu.memory_space<vmem>>, vector<16xi32>,
      tpu.vector_store %arg9[%swap3A_683], %and3A_678 {strides = array<i32>} : memref<512xi32, #tpu.memory_space<vmem>>, vector<16xi32>,
      %get3A_685 = arith.constant 272 : index
      %get3A_686 = tpu.vector_load %arg17[%get3A_685] {strides = array<i32>} : memref<512xf32, #tpu.memory_space<vmem>>, vector<16xf32>,
      %add3A_687 = arith.addf %gather3A, %get3A_686 : vector<16xf32>
      %get3A_688 = arith.constant 272 : index
      %get3A_689 = tpu.vector_load %arg18[%get3A_688] {strides = array<i32>} : memref<512xf32, #tpu.memory_space<vmem>>, vector<16xf32>,
      %add3A_690 = arith.addf %gather3A_44, %get3A_689 : vector<16xf32>
      %max3A_691 = arith.constant 0.000000e+00 : f32
      %max3A_692 = vector.broadcast %max3A_691 : f32 to vector<16xf32>
      %max3A_693 = arith.maximumf %add3A_687, %max3A_692 : vector<16xf32>
      %min3A_694 = arith.constant 5.110000e+02 : f32
      %min3A_695 = vector.broadcast %min3A_694 : f32 to vector<16xf32>
      %min3A_696 = arith.minimumf %max3A_693, %min3A_695 : vector<16xf32>
      %max3A_697 = arith.constant 0.000000e+00 : f32
      %max3A_698 = vector.broadcast %max3A_697 : f32 to vector<16xf32>
      %max3A_699 = arith.maximumf %add3A_690, %max3A_698 : vector<16xf32>
      %min3A_700 = arith.constant 5.110000e+02 : f32
      %min3A_701 = vector.broadcast %min3A_700 : f32 to vector<16xf32>
      %min3A_702 = arith.minimumf %max3A_699, %min3A_701 : vector<16xf32>
      %convert_element_type3A_703 = arith.fptosi %min3A_696 : vector<16xf32> to vector<16xi32>
      %mul3A_704 = arith.constant 512 : i32
      %mul3A_705 = vector.broadcast %mul3A_704 : i32 to vector<16xi32>
      %mul3A_706 = arith.muli %convert_element_type3A_703, %mul3A_705 : vector<16xi32>
      %convert_element_type3A_707 = arith.fptosi %min3A_702 : vector<16xf32> to vector<16xi32>
      %add3A_708 = arith.addi %mul3A_706, %convert_element_type3A_707 : vector<16xi32>
      %shift_right_arithmetic3A_709 = arith.constant 4 : i32
      %shift_right_arithmetic3A_710 = vector.broadcast %shift_right_arithmetic3A_709 : i32 to vector<16xi32>
      %shift_right_arithmetic3A_711 = arith.shrsi %add3A_708, %shift_right_arithmetic3A_710 : vector<16xi32>
      %add3A_712 = vector.broadcast %mul3A_37 : i32 to vector<16xi32>
      %add3A_713 = arith.addi %shift_right_arithmetic3A_711, %add3A_712 : vector<16xi32>
      %and3A_714 = arith.constant 15 : i32
      %and3A_715 = vector.broadcast %and3A_714 : i32 to vector<16xi32>
      %and3A_716 = arith.andi %add3A_708, %and3A_715 : vector<16xi32>
      %swap3A_717 = arith.constant 2 : i32
      %swap3A_718 = arith.index_cast %swap3A_717 : i32 to index
      %swap3A_719 = arith.constant 16 : index
      %swap3A_720 = tpu.vector_load %arg8[%swap3A_718, %swap3A_719] {strides = array<i32>} : memref<4x128xi32, #tpu.memory_space<vmem>>, vector<16xi32>,
      tpu.vector_store %arg8[%swap3A_718, %swap3A_719], %add3A_713 {strides = array<i32>} : memref<4x128xi32, #tpu.memory_space<vmem>>, vector<16xi32>,
      %swap3A_721 = arith.constant 272 : index
      %swap3A_722 = tpu.vector_load %arg9[%swap3A_721] {strides = array<i32>} : memref<512xi32, #tpu.memory_space<vmem>>, vector<16xi32>,
      tpu.vector_store %arg9[%swap3A_721], %and3A_716 {strides = array<i32>} : memref<512xi32, #tpu.memory_space<vmem>>, vector<16xi32>,
      %get3A_723 = arith.constant 288 : index
      %get3A_724 = tpu.vector_load %arg17[%get3A_723] {strides = array<i32>} : memref<512xf32, #tpu.memory_space<vmem>>, vector<16xf32>,
      %add3A_725 = arith.addf %gather3A, %get3A_724 : vector<16xf32>
      %get3A_726 = arith.constant 288 : index
      %get3A_727 = tpu.vector_load %arg18[%get3A_726] {strides = array<i32>} : memref<512xf32, #tpu.memory_space<vmem>>, vector<16xf32>,
      %add3A_728 = arith.addf %gather3A_44, %get3A_727 : vector<16xf32>
      %max3A_729 = arith.constant 0.000000e+00 : f32
      %max3A_730 = vector.broadcast %max3A_729 : f32 to vector<16xf32>
      %max3A_731 = arith.maximumf %add3A_725, %max3A_730 : vector<16xf32>
      %min3A_732 = arith.constant 5.110000e+02 : f32
      %min3A_733 = vector.broadcast %min3A_732 : f32 to vector<16xf32>
      %min3A_734 = arith.minimumf %max3A_731, %min3A_733 : vector<16xf32>
      %max3A_735 = arith.constant 0.000000e+00 : f32
      %max3A_736 = vector.broadcast %max3A_735 : f32 to vector<16xf32>
      %max3A_737 = arith.maximumf %add3A_728, %max3A_736 : vector<16xf32>
      %min3A_738 = arith.constant 5.110000e+02 : f32
      %min3A_739 = vector.broadcast %min3A_738 : f32 to vector<16xf32>
      %min3A_740 = arith.minimumf %max3A_737, %min3A_739 : vector<16xf32>
      %convert_element_type3A_741 = arith.fptosi %min3A_734 : vector<16xf32> to vector<16xi32>
      %mul3A_742 = arith.constant 512 : i32
      %mul3A_743 = vector.broadcast %mul3A_742 : i32 to vector<16xi32>
      %mul3A_744 = arith.muli %convert_element_type3A_741, %mul3A_743 : vector<16xi32>
      %convert_element_type3A_745 = arith.fptosi %min3A_740 : vector<16xf32> to vector<16xi32>
      %add3A_746 = arith.addi %mul3A_744, %convert_element_type3A_745 : vector<16xi32>
      %shift_right_arithmetic3A_747 = arith.constant 4 : i32
      %shift_right_arithmetic3A_748 = vector.broadcast %shift_right_arithmetic3A_747 : i32 to vector<16xi32>
      %shift_right_arithmetic3A_749 = arith.shrsi %add3A_746, %shift_right_arithmetic3A_748 : vector<16xi32>
      %add3A_750 = vector.broadcast %mul3A_37 : i32 to vector<16xi32>
      %add3A_751 = arith.addi %shift_right_arithmetic3A_749, %add3A_750 : vector<16xi32>
      %and3A_752 = arith.constant 15 : i32
      %and3A_753 = vector.broadcast %and3A_752 : i32 to vector<16xi32>
      %and3A_754 = arith.andi %add3A_746, %and3A_753 : vector<16xi32>
      %swap3A_755 = arith.constant 2 : i32
      %swap3A_756 = arith.index_cast %swap3A_755 : i32 to index
      %swap3A_757 = arith.constant 32 : index
      %swap3A_758 = tpu.vector_load %arg8[%swap3A_756, %swap3A_757] {strides = array<i32>} : memref<4x128xi32, #tpu.memory_space<vmem>>, vector<16xi32>,
      tpu.vector_store %arg8[%swap3A_756, %swap3A_757], %add3A_751 {strides = array<i32>} : memref<4x128xi32, #tpu.memory_space<vmem>>, vector<16xi32>,
      %swap3A_759 = arith.constant 288 : index
      %swap3A_760 = tpu.vector_load %arg9[%swap3A_759] {strides = array<i32>} : memref<512xi32, #tpu.memory_space<vmem>>, vector<16xi32>,
      tpu.vector_store %arg9[%swap3A_759], %and3A_754 {strides = array<i32>} : memref<512xi32, #tpu.memory_space<vmem>>, vector<16xi32>,
      %get3A_761 = arith.constant 304 : index
      %get3A_762 = tpu.vector_load %arg17[%get3A_761] {strides = array<i32>} : memref<512xf32, #tpu.memory_space<vmem>>, vector<16xf32>,
      %add3A_763 = arith.addf %gather3A, %get3A_762 : vector<16xf32>
      %get3A_764 = arith.constant 304 : index
      %get3A_765 = tpu.vector_load %arg18[%get3A_764] {strides = array<i32>} : memref<512xf32, #tpu.memory_space<vmem>>, vector<16xf32>,
      %add3A_766 = arith.addf %gather3A_44, %get3A_765 : vector<16xf32>
      %max3A_767 = arith.constant 0.000000e+00 : f32
      %max3A_768 = vector.broadcast %max3A_767 : f32 to vector<16xf32>
      %max3A_769 = arith.maximumf %add3A_763, %max3A_768 : vector<16xf32>
      %min3A_770 = arith.constant 5.110000e+02 : f32
      %min3A_771 = vector.broadcast %min3A_770 : f32 to vector<16xf32>
      %min3A_772 = arith.minimumf %max3A_769, %min3A_771 : vector<16xf32>
      %max3A_773 = arith.constant 0.000000e+00 : f32
      %max3A_774 = vector.broadcast %max3A_773 : f32 to vector<16xf32>
      %max3A_775 = arith.maximumf %add3A_766, %max3A_774 : vector<16xf32>
      %min3A_776 = arith.constant 5.110000e+02 : f32
      %min3A_777 = vector.broadcast %min3A_776 : f32 to vector<16xf32>
      %min3A_778 = arith.minimumf %max3A_775, %min3A_777 : vector<16xf32>
      %convert_element_type3A_779 = arith.fptosi %min3A_772 : vector<16xf32> to vector<16xi32>
      %mul3A_780 = arith.constant 512 : i32
      %mul3A_781 = vector.broadcast %mul3A_780 : i32 to vector<16xi32>
      %mul3A_782 = arith.muli %convert_element_type3A_779, %mul3A_781 : vector<16xi32>
      %convert_element_type3A_783 = arith.fptosi %min3A_778 : vector<16xf32> to vector<16xi32>
      %add3A_784 = arith.addi %mul3A_782, %convert_element_type3A_783 : vector<16xi32>
      %shift_right_arithmetic3A_785 = arith.constant 4 : i32
      %shift_right_arithmetic3A_786 = vector.broadcast %shift_right_arithmetic3A_785 : i32 to vector<16xi32>
      %shift_right_arithmetic3A_787 = arith.shrsi %add3A_784, %shift_right_arithmetic3A_786 : vector<16xi32>
      %add3A_788 = vector.broadcast %mul3A_37 : i32 to vector<16xi32>
      %add3A_789 = arith.addi %shift_right_arithmetic3A_787, %add3A_788 : vector<16xi32>
      %and3A_790 = arith.constant 15 : i32
      %and3A_791 = vector.broadcast %and3A_790 : i32 to vector<16xi32>
      %and3A_792 = arith.andi %add3A_784, %and3A_791 : vector<16xi32>
      %swap3A_793 = arith.constant 2 : i32
      %swap3A_794 = arith.index_cast %swap3A_793 : i32 to index
      %swap3A_795 = arith.constant 48 : index
      %swap3A_796 = tpu.vector_load %arg8[%swap3A_794, %swap3A_795] {strides = array<i32>} : memref<4x128xi32, #tpu.memory_space<vmem>>, vector<16xi32>,
      tpu.vector_store %arg8[%swap3A_794, %swap3A_795], %add3A_789 {strides = array<i32>} : memref<4x128xi32, #tpu.memory_space<vmem>>, vector<16xi32>,
      %swap3A_797 = arith.constant 304 : index
      %swap3A_798 = tpu.vector_load %arg9[%swap3A_797] {strides = array<i32>} : memref<512xi32, #tpu.memory_space<vmem>>, vector<16xi32>,
      tpu.vector_store %arg9[%swap3A_797], %and3A_792 {strides = array<i32>} : memref<512xi32, #tpu.memory_space<vmem>>, vector<16xi32>,
      %get3A_799 = arith.constant 320 : index
      %get3A_800 = tpu.vector_load %arg17[%get3A_799] {strides = array<i32>} : memref<512xf32, #tpu.memory_space<vmem>>, vector<16xf32>,
      %add3A_801 = arith.addf %gather3A, %get3A_800 : vector<16xf32>
      %get3A_802 = arith.constant 320 : index
      %get3A_803 = tpu.vector_load %arg18[%get3A_802] {strides = array<i32>} : memref<512xf32, #tpu.memory_space<vmem>>, vector<16xf32>,
      %add3A_804 = arith.addf %gather3A_44, %get3A_803 : vector<16xf32>
      %max3A_805 = arith.constant 0.000000e+00 : f32
      %max3A_806 = vector.broadcast %max3A_805 : f32 to vector<16xf32>
      %max3A_807 = arith.maximumf %add3A_801, %max3A_806 : vector<16xf32>
      %min3A_808 = arith.constant 5.110000e+02 : f32
      %min3A_809 = vector.broadcast %min3A_808 : f32 to vector<16xf32>
      %min3A_810 = arith.minimumf %max3A_807, %min3A_809 : vector<16xf32>
      %max3A_811 = arith.constant 0.000000e+00 : f32
      %max3A_812 = vector.broadcast %max3A_811 : f32 to vector<16xf32>
      %max3A_813 = arith.maximumf %add3A_804, %max3A_812 : vector<16xf32>
      %min3A_814 = arith.constant 5.110000e+02 : f32
      %min3A_815 = vector.broadcast %min3A_814 : f32 to vector<16xf32>
      %min3A_816 = arith.minimumf %max3A_813, %min3A_815 : vector<16xf32>
      %convert_element_type3A_817 = arith.fptosi %min3A_810 : vector<16xf32> to vector<16xi32>
      %mul3A_818 = arith.constant 512 : i32
      %mul3A_819 = vector.broadcast %mul3A_818 : i32 to vector<16xi32>
      %mul3A_820 = arith.muli %convert_element_type3A_817, %mul3A_819 : vector<16xi32>
      %convert_element_type3A_821 = arith.fptosi %min3A_816 : vector<16xf32> to vector<16xi32>
      %add3A_822 = arith.addi %mul3A_820, %convert_element_type3A_821 : vector<16xi32>
      %shift_right_arithmetic3A_823 = arith.constant 4 : i32
      %shift_right_arithmetic3A_824 = vector.broadcast %shift_right_arithmetic3A_823 : i32 to vector<16xi32>
      %shift_right_arithmetic3A_825 = arith.shrsi %add3A_822, %shift_right_arithmetic3A_824 : vector<16xi32>
      %add3A_826 = vector.broadcast %mul3A_37 : i32 to vector<16xi32>
      %add3A_827 = arith.addi %shift_right_arithmetic3A_825, %add3A_826 : vector<16xi32>
      %and3A_828 = arith.constant 15 : i32
      %and3A_829 = vector.broadcast %and3A_828 : i32 to vector<16xi32>
      %and3A_830 = arith.andi %add3A_822, %and3A_829 : vector<16xi32>
      %swap3A_831 = arith.constant 2 : i32
      %swap3A_832 = arith.index_cast %swap3A_831 : i32 to index
      %swap3A_833 = arith.constant 64 : index
      %swap3A_834 = tpu.vector_load %arg8[%swap3A_832, %swap3A_833] {strides = array<i32>} : memref<4x128xi32, #tpu.memory_space<vmem>>, vector<16xi32>,
      tpu.vector_store %arg8[%swap3A_832, %swap3A_833], %add3A_827 {strides = array<i32>} : memref<4x128xi32, #tpu.memory_space<vmem>>, vector<16xi32>,
      %swap3A_835 = arith.constant 320 : index
      %swap3A_836 = tpu.vector_load %arg9[%swap3A_835] {strides = array<i32>} : memref<512xi32, #tpu.memory_space<vmem>>, vector<16xi32>,
      tpu.vector_store %arg9[%swap3A_835], %and3A_830 {strides = array<i32>} : memref<512xi32, #tpu.memory_space<vmem>>, vector<16xi32>,
      %get3A_837 = arith.constant 336 : index
      %get3A_838 = tpu.vector_load %arg17[%get3A_837] {strides = array<i32>} : memref<512xf32, #tpu.memory_space<vmem>>, vector<16xf32>,
      %add3A_839 = arith.addf %gather3A, %get3A_838 : vector<16xf32>
      %get3A_840 = arith.constant 336 : index
      %get3A_841 = tpu.vector_load %arg18[%get3A_840] {strides = array<i32>} : memref<512xf32, #tpu.memory_space<vmem>>, vector<16xf32>,
      %add3A_842 = arith.addf %gather3A_44, %get3A_841 : vector<16xf32>
      %max3A_843 = arith.constant 0.000000e+00 : f32
      %max3A_844 = vector.broadcast %max3A_843 : f32 to vector<16xf32>
      %max3A_845 = arith.maximumf %add3A_839, %max3A_844 : vector<16xf32>
      %min3A_846 = arith.constant 5.110000e+02 : f32
      %min3A_847 = vector.broadcast %min3A_846 : f32 to vector<16xf32>
      %min3A_848 = arith.minimumf %max3A_845, %min3A_847 : vector<16xf32>
      %max3A_849 = arith.constant 0.000000e+00 : f32
      %max3A_850 = vector.broadcast %max3A_849 : f32 to vector<16xf32>
      %max3A_851 = arith.maximumf %add3A_842, %max3A_850 : vector<16xf32>
      %min3A_852 = arith.constant 5.110000e+02 : f32
      %min3A_853 = vector.broadcast %min3A_852 : f32 to vector<16xf32>
      %min3A_854 = arith.minimumf %max3A_851, %min3A_853 : vector<16xf32>
      %convert_element_type3A_855 = arith.fptosi %min3A_848 : vector<16xf32> to vector<16xi32>
      %mul3A_856 = arith.constant 512 : i32
      %mul3A_857 = vector.broadcast %mul3A_856 : i32 to vector<16xi32>
      %mul3A_858 = arith.muli %convert_element_type3A_855, %mul3A_857 : vector<16xi32>
      %convert_element_type3A_859 = arith.fptosi %min3A_854 : vector<16xf32> to vector<16xi32>
      %add3A_860 = arith.addi %mul3A_858, %convert_element_type3A_859 : vector<16xi32>
      %shift_right_arithmetic3A_861 = arith.constant 4 : i32
      %shift_right_arithmetic3A_862 = vector.broadcast %shift_right_arithmetic3A_861 : i32 to vector<16xi32>
      %shift_right_arithmetic3A_863 = arith.shrsi %add3A_860, %shift_right_arithmetic3A_862 : vector<16xi32>
      %add3A_864 = vector.broadcast %mul3A_37 : i32 to vector<16xi32>
      %add3A_865 = arith.addi %shift_right_arithmetic3A_863, %add3A_864 : vector<16xi32>
      %and3A_866 = arith.constant 15 : i32
      %and3A_867 = vector.broadcast %and3A_866 : i32 to vector<16xi32>
      %and3A_868 = arith.andi %add3A_860, %and3A_867 : vector<16xi32>
      %swap3A_869 = arith.constant 2 : i32
      %swap3A_870 = arith.index_cast %swap3A_869 : i32 to index
      %swap3A_871 = arith.constant 80 : index
      %swap3A_872 = tpu.vector_load %arg8[%swap3A_870, %swap3A_871] {strides = array<i32>} : memref<4x128xi32, #tpu.memory_space<vmem>>, vector<16xi32>,
      tpu.vector_store %arg8[%swap3A_870, %swap3A_871], %add3A_865 {strides = array<i32>} : memref<4x128xi32, #tpu.memory_space<vmem>>, vector<16xi32>,
      %swap3A_873 = arith.constant 336 : index
      %swap3A_874 = tpu.vector_load %arg9[%swap3A_873] {strides = array<i32>} : memref<512xi32, #tpu.memory_space<vmem>>, vector<16xi32>,
      tpu.vector_store %arg9[%swap3A_873], %and3A_868 {strides = array<i32>} : memref<512xi32, #tpu.memory_space<vmem>>, vector<16xi32>,
      %get3A_875 = arith.constant 352 : index
      %get3A_876 = tpu.vector_load %arg17[%get3A_875] {strides = array<i32>} : memref<512xf32, #tpu.memory_space<vmem>>, vector<16xf32>,
      %add3A_877 = arith.addf %gather3A, %get3A_876 : vector<16xf32>
      %get3A_878 = arith.constant 352 : index
      %get3A_879 = tpu.vector_load %arg18[%get3A_878] {strides = array<i32>} : memref<512xf32, #tpu.memory_space<vmem>>, vector<16xf32>,
      %add3A_880 = arith.addf %gather3A_44, %get3A_879 : vector<16xf32>
      %max3A_881 = arith.constant 0.000000e+00 : f32
      %max3A_882 = vector.broadcast %max3A_881 : f32 to vector<16xf32>
      %max3A_883 = arith.maximumf %add3A_877, %max3A_882 : vector<16xf32>
      %min3A_884 = arith.constant 5.110000e+02 : f32
      %min3A_885 = vector.broadcast %min3A_884 : f32 to vector<16xf32>
      %min3A_886 = arith.minimumf %max3A_883, %min3A_885 : vector<16xf32>
      %max3A_887 = arith.constant 0.000000e+00 : f32
      %max3A_888 = vector.broadcast %max3A_887 : f32 to vector<16xf32>
      %max3A_889 = arith.maximumf %add3A_880, %max3A_888 : vector<16xf32>
      %min3A_890 = arith.constant 5.110000e+02 : f32
      %min3A_891 = vector.broadcast %min3A_890 : f32 to vector<16xf32>
      %min3A_892 = arith.minimumf %max3A_889, %min3A_891 : vector<16xf32>
      %convert_element_type3A_893 = arith.fptosi %min3A_886 : vector<16xf32> to vector<16xi32>
      %mul3A_894 = arith.constant 512 : i32
      %mul3A_895 = vector.broadcast %mul3A_894 : i32 to vector<16xi32>
      %mul3A_896 = arith.muli %convert_element_type3A_893, %mul3A_895 : vector<16xi32>
      %convert_element_type3A_897 = arith.fptosi %min3A_892 : vector<16xf32> to vector<16xi32>
      %add3A_898 = arith.addi %mul3A_896, %convert_element_type3A_897 : vector<16xi32>
      %shift_right_arithmetic3A_899 = arith.constant 4 : i32
      %shift_right_arithmetic3A_900 = vector.broadcast %shift_right_arithmetic3A_899 : i32 to vector<16xi32>
      %shift_right_arithmetic3A_901 = arith.shrsi %add3A_898, %shift_right_arithmetic3A_900 : vector<16xi32>
      %add3A_902 = vector.broadcast %mul3A_37 : i32 to vector<16xi32>
      %add3A_903 = arith.addi %shift_right_arithmetic3A_901, %add3A_902 : vector<16xi32>
      %and3A_904 = arith.constant 15 : i32
      %and3A_905 = vector.broadcast %and3A_904 : i32 to vector<16xi32>
      %and3A_906 = arith.andi %add3A_898, %and3A_905 : vector<16xi32>
      %swap3A_907 = arith.constant 2 : i32
      %swap3A_908 = arith.index_cast %swap3A_907 : i32 to index
      %swap3A_909 = arith.constant 96 : index
      %swap3A_910 = tpu.vector_load %arg8[%swap3A_908, %swap3A_909] {strides = array<i32>} : memref<4x128xi32, #tpu.memory_space<vmem>>, vector<16xi32>,
      tpu.vector_store %arg8[%swap3A_908, %swap3A_909], %add3A_903 {strides = array<i32>} : memref<4x128xi32, #tpu.memory_space<vmem>>, vector<16xi32>,
      %swap3A_911 = arith.constant 352 : index
      %swap3A_912 = tpu.vector_load %arg9[%swap3A_911] {strides = array<i32>} : memref<512xi32, #tpu.memory_space<vmem>>, vector<16xi32>,
      tpu.vector_store %arg9[%swap3A_911], %and3A_906 {strides = array<i32>} : memref<512xi32, #tpu.memory_space<vmem>>, vector<16xi32>,
      %get3A_913 = arith.constant 368 : index
      %get3A_914 = tpu.vector_load %arg17[%get3A_913] {strides = array<i32>} : memref<512xf32, #tpu.memory_space<vmem>>, vector<16xf32>,
      %add3A_915 = arith.addf %gather3A, %get3A_914 : vector<16xf32>
      %get3A_916 = arith.constant 368 : index
      %get3A_917 = tpu.vector_load %arg18[%get3A_916] {strides = array<i32>} : memref<512xf32, #tpu.memory_space<vmem>>, vector<16xf32>,
      %add3A_918 = arith.addf %gather3A_44, %get3A_917 : vector<16xf32>
      %max3A_919 = arith.constant 0.000000e+00 : f32
      %max3A_920 = vector.broadcast %max3A_919 : f32 to vector<16xf32>
      %max3A_921 = arith.maximumf %add3A_915, %max3A_920 : vector<16xf32>
      %min3A_922 = arith.constant 5.110000e+02 : f32
      %min3A_923 = vector.broadcast %min3A_922 : f32 to vector<16xf32>
      %min3A_924 = arith.minimumf %max3A_921, %min3A_923 : vector<16xf32>
      %max3A_925 = arith.constant 0.000000e+00 : f32
      %max3A_926 = vector.broadcast %max3A_925 : f32 to vector<16xf32>
      %max3A_927 = arith.maximumf %add3A_918, %max3A_926 : vector<16xf32>
      %min3A_928 = arith.constant 5.110000e+02 : f32
      %min3A_929 = vector.broadcast %min3A_928 : f32 to vector<16xf32>
      %min3A_930 = arith.minimumf %max3A_927, %min3A_929 : vector<16xf32>
      %convert_element_type3A_931 = arith.fptosi %min3A_924 : vector<16xf32> to vector<16xi32>
      %mul3A_932 = arith.constant 512 : i32
      %mul3A_933 = vector.broadcast %mul3A_932 : i32 to vector<16xi32>
      %mul3A_934 = arith.muli %convert_element_type3A_931, %mul3A_933 : vector<16xi32>
      %convert_element_type3A_935 = arith.fptosi %min3A_930 : vector<16xf32> to vector<16xi32>
      %add3A_936 = arith.addi %mul3A_934, %convert_element_type3A_935 : vector<16xi32>
      %shift_right_arithmetic3A_937 = arith.constant 4 : i32
      %shift_right_arithmetic3A_938 = vector.broadcast %shift_right_arithmetic3A_937 : i32 to vector<16xi32>
      %shift_right_arithmetic3A_939 = arith.shrsi %add3A_936, %shift_right_arithmetic3A_938 : vector<16xi32>
      %add3A_940 = vector.broadcast %mul3A_37 : i32 to vector<16xi32>
      %add3A_941 = arith.addi %shift_right_arithmetic3A_939, %add3A_940 : vector<16xi32>
      %and3A_942 = arith.constant 15 : i32
      %and3A_943 = vector.broadcast %and3A_942 : i32 to vector<16xi32>
      %and3A_944 = arith.andi %add3A_936, %and3A_943 : vector<16xi32>
      %swap3A_945 = arith.constant 2 : i32
      %swap3A_946 = arith.index_cast %swap3A_945 : i32 to index
      %swap3A_947 = arith.constant 112 : index
      %swap3A_948 = tpu.vector_load %arg8[%swap3A_946, %swap3A_947] {strides = array<i32>} : memref<4x128xi32, #tpu.memory_space<vmem>>, vector<16xi32>,
      tpu.vector_store %arg8[%swap3A_946, %swap3A_947], %add3A_941 {strides = array<i32>} : memref<4x128xi32, #tpu.memory_space<vmem>>, vector<16xi32>,
      %swap3A_949 = arith.constant 368 : index
      %swap3A_950 = tpu.vector_load %arg9[%swap3A_949] {strides = array<i32>} : memref<512xi32, #tpu.memory_space<vmem>>, vector<16xi32>,
      tpu.vector_store %arg9[%swap3A_949], %and3A_944 {strides = array<i32>} : memref<512xi32, #tpu.memory_space<vmem>>, vector<16xi32>,
      %get3A_951 = arith.constant 384 : index
      %get3A_952 = tpu.vector_load %arg17[%get3A_951] {strides = array<i32>} : memref<512xf32, #tpu.memory_space<vmem>>, vector<16xf32>,
      %add3A_953 = arith.addf %gather3A, %get3A_952 : vector<16xf32>
      %get3A_954 = arith.constant 384 : index
      %get3A_955 = tpu.vector_load %arg18[%get3A_954] {strides = array<i32>} : memref<512xf32, #tpu.memory_space<vmem>>, vector<16xf32>,
      %add3A_956 = arith.addf %gather3A_44, %get3A_955 : vector<16xf32>
      %max3A_957 = arith.constant 0.000000e+00 : f32
      %max3A_958 = vector.broadcast %max3A_957 : f32 to vector<16xf32>
      %max3A_959 = arith.maximumf %add3A_953, %max3A_958 : vector<16xf32>
      %min3A_960 = arith.constant 5.110000e+02 : f32
      %min3A_961 = vector.broadcast %min3A_960 : f32 to vector<16xf32>
      %min3A_962 = arith.minimumf %max3A_959, %min3A_961 : vector<16xf32>
      %max3A_963 = arith.constant 0.000000e+00 : f32
      %max3A_964 = vector.broadcast %max3A_963 : f32 to vector<16xf32>
      %max3A_965 = arith.maximumf %add3A_956, %max3A_964 : vector<16xf32>
      %min3A_966 = arith.constant 5.110000e+02 : f32
      %min3A_967 = vector.broadcast %min3A_966 : f32 to vector<16xf32>
      %min3A_968 = arith.minimumf %max3A_965, %min3A_967 : vector<16xf32>
      %convert_element_type3A_969 = arith.fptosi %min3A_962 : vector<16xf32> to vector<16xi32>
      %mul3A_970 = arith.constant 512 : i32
      %mul3A_971 = vector.broadcast %mul3A_970 : i32 to vector<16xi32>
      %mul3A_972 = arith.muli %convert_element_type3A_969, %mul3A_971 : vector<16xi32>
      %convert_element_type3A_973 = arith.fptosi %min3A_968 : vector<16xf32> to vector<16xi32>
      %add3A_974 = arith.addi %mul3A_972, %convert_element_type3A_973 : vector<16xi32>
      %shift_right_arithmetic3A_975 = arith.constant 4 : i32
      %shift_right_arithmetic3A_976 = vector.broadcast %shift_right_arithmetic3A_975 : i32 to vector<16xi32>
      %shift_right_arithmetic3A_977 = arith.shrsi %add3A_974, %shift_right_arithmetic3A_976 : vector<16xi32>
      %add3A_978 = vector.broadcast %mul3A_37 : i32 to vector<16xi32>
      %add3A_979 = arith.addi %shift_right_arithmetic3A_977, %add3A_978 : vector<16xi32>
      %and3A_980 = arith.constant 15 : i32
      %and3A_981 = vector.broadcast %and3A_980 : i32 to vector<16xi32>
      %and3A_982 = arith.andi %add3A_974, %and3A_981 : vector<16xi32>
      %swap3A_983 = arith.constant 3 : i32
      %swap3A_984 = arith.index_cast %swap3A_983 : i32 to index
      %swap3A_985 = arith.constant 0 : index
      %swap3A_986 = tpu.vector_load %arg8[%swap3A_984, %swap3A_985] {strides = array<i32>} : memref<4x128xi32, #tpu.memory_space<vmem>>, vector<16xi32>,
      tpu.vector_store %arg8[%swap3A_984, %swap3A_985], %add3A_979 {strides = array<i32>} : memref<4x128xi32, #tpu.memory_space<vmem>>, vector<16xi32>,
      %swap3A_987 = arith.constant 384 : index
      %swap3A_988 = tpu.vector_load %arg9[%swap3A_987] {strides = array<i32>} : memref<512xi32, #tpu.memory_space<vmem>>, vector<16xi32>,
      tpu.vector_store %arg9[%swap3A_987], %and3A_982 {strides = array<i32>} : memref<512xi32, #tpu.memory_space<vmem>>, vector<16xi32>,
      %get3A_989 = arith.constant 400 : index
      %get3A_990 = tpu.vector_load %arg17[%get3A_989] {strides = array<i32>} : memref<512xf32, #tpu.memory_space<vmem>>, vector<16xf32>,
      %add3A_991 = arith.addf %gather3A, %get3A_990 : vector<16xf32>
      %get3A_992 = arith.constant 400 : index
      %get3A_993 = tpu.vector_load %arg18[%get3A_992] {strides = array<i32>} : memref<512xf32, #tpu.memory_space<vmem>>, vector<16xf32>,
      %add3A_994 = arith.addf %gather3A_44, %get3A_993 : vector<16xf32>
      %max3A_995 = arith.constant 0.000000e+00 : f32
      %max3A_996 = vector.broadcast %max3A_995 : f32 to vector<16xf32>
      %max3A_997 = arith.maximumf %add3A_991, %max3A_996 : vector<16xf32>
      %min3A_998 = arith.constant 5.110000e+02 : f32
      %min3A_999 = vector.broadcast %min3A_998 : f32 to vector<16xf32>
      %min3A_1000 = arith.minimumf %max3A_997, %min3A_999 : vector<16xf32>
      %max3A_1001 = arith.constant 0.000000e+00 : f32
      %max3A_1002 = vector.broadcast %max3A_1001 : f32 to vector<16xf32>
      %max3A_1003 = arith.maximumf %add3A_994, %max3A_1002 : vector<16xf32>
      %min3A_1004 = arith.constant 5.110000e+02 : f32
      %min3A_1005 = vector.broadcast %min3A_1004 : f32 to vector<16xf32>
      %min3A_1006 = arith.minimumf %max3A_1003, %min3A_1005 : vector<16xf32>
      %convert_element_type3A_1007 = arith.fptosi %min3A_1000 : vector<16xf32> to vector<16xi32>
      %mul3A_1008 = arith.constant 512 : i32
      %mul3A_1009 = vector.broadcast %mul3A_1008 : i32 to vector<16xi32>
      %mul3A_1010 = arith.muli %convert_element_type3A_1007, %mul3A_1009 : vector<16xi32>
      %convert_element_type3A_1011 = arith.fptosi %min3A_1006 : vector<16xf32> to vector<16xi32>
      %add3A_1012 = arith.addi %mul3A_1010, %convert_element_type3A_1011 : vector<16xi32>
      %shift_right_arithmetic3A_1013 = arith.constant 4 : i32
      %shift_right_arithmetic3A_1014 = vector.broadcast %shift_right_arithmetic3A_1013 : i32 to vector<16xi32>
      %shift_right_arithmetic3A_1015 = arith.shrsi %add3A_1012, %shift_right_arithmetic3A_1014 : vector<16xi32>
      %add3A_1016 = vector.broadcast %mul3A_37 : i32 to vector<16xi32>
      %add3A_1017 = arith.addi %shift_right_arithmetic3A_1015, %add3A_1016 : vector<16xi32>
      %and3A_1018 = arith.constant 15 : i32
      %and3A_1019 = vector.broadcast %and3A_1018 : i32 to vector<16xi32>
      %and3A_1020 = arith.andi %add3A_1012, %and3A_1019 : vector<16xi32>
      %swap3A_1021 = arith.constant 3 : i32
      %swap3A_1022 = arith.index_cast %swap3A_1021 : i32 to index
      %swap3A_1023 = arith.constant 16 : index
      %swap3A_1024 = tpu.vector_load %arg8[%swap3A_1022, %swap3A_1023] {strides = array<i32>} : memref<4x128xi32, #tpu.memory_space<vmem>>, vector<16xi32>,
      tpu.vector_store %arg8[%swap3A_1022, %swap3A_1023], %add3A_1017 {strides = array<i32>} : memref<4x128xi32, #tpu.memory_space<vmem>>, vector<16xi32>,
      %swap3A_1025 = arith.constant 400 : index
      %swap3A_1026 = tpu.vector_load %arg9[%swap3A_1025] {strides = array<i32>} : memref<512xi32, #tpu.memory_space<vmem>>, vector<16xi32>,
      tpu.vector_store %arg9[%swap3A_1025], %and3A_1020 {strides = array<i32>} : memref<512xi32, #tpu.memory_space<vmem>>, vector<16xi32>,
      %get3A_1027 = arith.constant 416 : index
      %get3A_1028 = tpu.vector_load %arg17[%get3A_1027] {strides = array<i32>} : memref<512xf32, #tpu.memory_space<vmem>>, vector<16xf32>,
      %add3A_1029 = arith.addf %gather3A, %get3A_1028 : vector<16xf32>
      %get3A_1030 = arith.constant 416 : index
      %get3A_1031 = tpu.vector_load %arg18[%get3A_1030] {strides = array<i32>} : memref<512xf32, #tpu.memory_space<vmem>>, vector<16xf32>,
      %add3A_1032 = arith.addf %gather3A_44, %get3A_1031 : vector<16xf32>
      %max3A_1033 = arith.constant 0.000000e+00 : f32
      %max3A_1034 = vector.broadcast %max3A_1033 : f32 to vector<16xf32>
      %max3A_1035 = arith.maximumf %add3A_1029, %max3A_1034 : vector<16xf32>
      %min3A_1036 = arith.constant 5.110000e+02 : f32
      %min3A_1037 = vector.broadcast %min3A_1036 : f32 to vector<16xf32>
      %min3A_1038 = arith.minimumf %max3A_1035, %min3A_1037 : vector<16xf32>
      %max3A_1039 = arith.constant 0.000000e+00 : f32
      %max3A_1040 = vector.broadcast %max3A_1039 : f32 to vector<16xf32>
      %max3A_1041 = arith.maximumf %add3A_1032, %max3A_1040 : vector<16xf32>
      %min3A_1042 = arith.constant 5.110000e+02 : f32
      %min3A_1043 = vector.broadcast %min3A_1042 : f32 to vector<16xf32>
      %min3A_1044 = arith.minimumf %max3A_1041, %min3A_1043 : vector<16xf32>
      %convert_element_type3A_1045 = arith.fptosi %min3A_1038 : vector<16xf32> to vector<16xi32>
      %mul3A_1046 = arith.constant 512 : i32
      %mul3A_1047 = vector.broadcast %mul3A_1046 : i32 to vector<16xi32>
      %mul3A_1048 = arith.muli %convert_element_type3A_1045, %mul3A_1047 : vector<16xi32>
      %convert_element_type3A_1049 = arith.fptosi %min3A_1044 : vector<16xf32> to vector<16xi32>
      %add3A_1050 = arith.addi %mul3A_1048, %convert_element_type3A_1049 : vector<16xi32>
      %shift_right_arithmetic3A_1051 = arith.constant 4 : i32
      %shift_right_arithmetic3A_1052 = vector.broadcast %shift_right_arithmetic3A_1051 : i32 to vector<16xi32>
      %shift_right_arithmetic3A_1053 = arith.shrsi %add3A_1050, %shift_right_arithmetic3A_1052 : vector<16xi32>
      %add3A_1054 = vector.broadcast %mul3A_37 : i32 to vector<16xi32>
      %add3A_1055 = arith.addi %shift_right_arithmetic3A_1053, %add3A_1054 : vector<16xi32>
      %and3A_1056 = arith.constant 15 : i32
      %and3A_1057 = vector.broadcast %and3A_1056 : i32 to vector<16xi32>
      %and3A_1058 = arith.andi %add3A_1050, %and3A_1057 : vector<16xi32>
      %swap3A_1059 = arith.constant 3 : i32
      %swap3A_1060 = arith.index_cast %swap3A_1059 : i32 to index
      %swap3A_1061 = arith.constant 32 : index
      %swap3A_1062 = tpu.vector_load %arg8[%swap3A_1060, %swap3A_1061] {strides = array<i32>} : memref<4x128xi32, #tpu.memory_space<vmem>>, vector<16xi32>,
      tpu.vector_store %arg8[%swap3A_1060, %swap3A_1061], %add3A_1055 {strides = array<i32>} : memref<4x128xi32, #tpu.memory_space<vmem>>, vector<16xi32>,
      %swap3A_1063 = arith.constant 416 : index
      %swap3A_1064 = tpu.vector_load %arg9[%swap3A_1063] {strides = array<i32>} : memref<512xi32, #tpu.memory_space<vmem>>, vector<16xi32>,
      tpu.vector_store %arg9[%swap3A_1063], %and3A_1058 {strides = array<i32>} : memref<512xi32, #tpu.memory_space<vmem>>, vector<16xi32>,
      %get3A_1065 = arith.constant 432 : index
      %get3A_1066 = tpu.vector_load %arg17[%get3A_1065] {strides = array<i32>} : memref<512xf32, #tpu.memory_space<vmem>>, vector<16xf32>,
      %add3A_1067 = arith.addf %gather3A, %get3A_1066 : vector<16xf32>
      %get3A_1068 = arith.constant 432 : index
      %get3A_1069 = tpu.vector_load %arg18[%get3A_1068] {strides = array<i32>} : memref<512xf32, #tpu.memory_space<vmem>>, vector<16xf32>,
      %add3A_1070 = arith.addf %gather3A_44, %get3A_1069 : vector<16xf32>
      %max3A_1071 = arith.constant 0.000000e+00 : f32
      %max3A_1072 = vector.broadcast %max3A_1071 : f32 to vector<16xf32>
      %max3A_1073 = arith.maximumf %add3A_1067, %max3A_1072 : vector<16xf32>
      %min3A_1074 = arith.constant 5.110000e+02 : f32
      %min3A_1075 = vector.broadcast %min3A_1074 : f32 to vector<16xf32>
      %min3A_1076 = arith.minimumf %max3A_1073, %min3A_1075 : vector<16xf32>
      %max3A_1077 = arith.constant 0.000000e+00 : f32
      %max3A_1078 = vector.broadcast %max3A_1077 : f32 to vector<16xf32>
      %max3A_1079 = arith.maximumf %add3A_1070, %max3A_1078 : vector<16xf32>
      %min3A_1080 = arith.constant 5.110000e+02 : f32
      %min3A_1081 = vector.broadcast %min3A_1080 : f32 to vector<16xf32>
      %min3A_1082 = arith.minimumf %max3A_1079, %min3A_1081 : vector<16xf32>
      %convert_element_type3A_1083 = arith.fptosi %min3A_1076 : vector<16xf32> to vector<16xi32>
      %mul3A_1084 = arith.constant 512 : i32
      %mul3A_1085 = vector.broadcast %mul3A_1084 : i32 to vector<16xi32>
      %mul3A_1086 = arith.muli %convert_element_type3A_1083, %mul3A_1085 : vector<16xi32>
      %convert_element_type3A_1087 = arith.fptosi %min3A_1082 : vector<16xf32> to vector<16xi32>
      %add3A_1088 = arith.addi %mul3A_1086, %convert_element_type3A_1087 : vector<16xi32>
      %shift_right_arithmetic3A_1089 = arith.constant 4 : i32
      %shift_right_arithmetic3A_1090 = vector.broadcast %shift_right_arithmetic3A_1089 : i32 to vector<16xi32>
      %shift_right_arithmetic3A_1091 = arith.shrsi %add3A_1088, %shift_right_arithmetic3A_1090 : vector<16xi32>
      %add3A_1092 = vector.broadcast %mul3A_37 : i32 to vector<16xi32>
      %add3A_1093 = arith.addi %shift_right_arithmetic3A_1091, %add3A_1092 : vector<16xi32>
      %and3A_1094 = arith.constant 15 : i32
      %and3A_1095 = vector.broadcast %and3A_1094 : i32 to vector<16xi32>
      %and3A_1096 = arith.andi %add3A_1088, %and3A_1095 : vector<16xi32>
      %swap3A_1097 = arith.constant 3 : i32
      %swap3A_1098 = arith.index_cast %swap3A_1097 : i32 to index
      %swap3A_1099 = arith.constant 48 : index
      %swap3A_1100 = tpu.vector_load %arg8[%swap3A_1098, %swap3A_1099] {strides = array<i32>} : memref<4x128xi32, #tpu.memory_space<vmem>>, vector<16xi32>,
      tpu.vector_store %arg8[%swap3A_1098, %swap3A_1099], %add3A_1093 {strides = array<i32>} : memref<4x128xi32, #tpu.memory_space<vmem>>, vector<16xi32>,
      %swap3A_1101 = arith.constant 432 : index
      %swap3A_1102 = tpu.vector_load %arg9[%swap3A_1101] {strides = array<i32>} : memref<512xi32, #tpu.memory_space<vmem>>, vector<16xi32>,
      tpu.vector_store %arg9[%swap3A_1101], %and3A_1096 {strides = array<i32>} : memref<512xi32, #tpu.memory_space<vmem>>, vector<16xi32>,
      %get3A_1103 = arith.constant 448 : index
      %get3A_1104 = tpu.vector_load %arg17[%get3A_1103] {strides = array<i32>} : memref<512xf32, #tpu.memory_space<vmem>>, vector<16xf32>,
      %add3A_1105 = arith.addf %gather3A, %get3A_1104 : vector<16xf32>
      %get3A_1106 = arith.constant 448 : index
      %get3A_1107 = tpu.vector_load %arg18[%get3A_1106] {strides = array<i32>} : memref<512xf32, #tpu.memory_space<vmem>>, vector<16xf32>,
      %add3A_1108 = arith.addf %gather3A_44, %get3A_1107 : vector<16xf32>
      %max3A_1109 = arith.constant 0.000000e+00 : f32
      %max3A_1110 = vector.broadcast %max3A_1109 : f32 to vector<16xf32>
      %max3A_1111 = arith.maximumf %add3A_1105, %max3A_1110 : vector<16xf32>
      %min3A_1112 = arith.constant 5.110000e+02 : f32
      %min3A_1113 = vector.broadcast %min3A_1112 : f32 to vector<16xf32>
      %min3A_1114 = arith.minimumf %max3A_1111, %min3A_1113 : vector<16xf32>
      %max3A_1115 = arith.constant 0.000000e+00 : f32
      %max3A_1116 = vector.broadcast %max3A_1115 : f32 to vector<16xf32>
      %max3A_1117 = arith.maximumf %add3A_1108, %max3A_1116 : vector<16xf32>
      %min3A_1118 = arith.constant 5.110000e+02 : f32
      %min3A_1119 = vector.broadcast %min3A_1118 : f32 to vector<16xf32>
      %min3A_1120 = arith.minimumf %max3A_1117, %min3A_1119 : vector<16xf32>
      %convert_element_type3A_1121 = arith.fptosi %min3A_1114 : vector<16xf32> to vector<16xi32>
      %mul3A_1122 = arith.constant 512 : i32
      %mul3A_1123 = vector.broadcast %mul3A_1122 : i32 to vector<16xi32>
      %mul3A_1124 = arith.muli %convert_element_type3A_1121, %mul3A_1123 : vector<16xi32>
      %convert_element_type3A_1125 = arith.fptosi %min3A_1120 : vector<16xf32> to vector<16xi32>
      %add3A_1126 = arith.addi %mul3A_1124, %convert_element_type3A_1125 : vector<16xi32>
      %shift_right_arithmetic3A_1127 = arith.constant 4 : i32
      %shift_right_arithmetic3A_1128 = vector.broadcast %shift_right_arithmetic3A_1127 : i32 to vector<16xi32>
      %shift_right_arithmetic3A_1129 = arith.shrsi %add3A_1126, %shift_right_arithmetic3A_1128 : vector<16xi32>
      %add3A_1130 = vector.broadcast %mul3A_37 : i32 to vector<16xi32>
      %add3A_1131 = arith.addi %shift_right_arithmetic3A_1129, %add3A_1130 : vector<16xi32>
      %and3A_1132 = arith.constant 15 : i32
      %and3A_1133 = vector.broadcast %and3A_1132 : i32 to vector<16xi32>
      %and3A_1134 = arith.andi %add3A_1126, %and3A_1133 : vector<16xi32>
      %swap3A_1135 = arith.constant 3 : i32
      %swap3A_1136 = arith.index_cast %swap3A_1135 : i32 to index
      %swap3A_1137 = arith.constant 64 : index
      %swap3A_1138 = tpu.vector_load %arg8[%swap3A_1136, %swap3A_1137] {strides = array<i32>} : memref<4x128xi32, #tpu.memory_space<vmem>>, vector<16xi32>,
      tpu.vector_store %arg8[%swap3A_1136, %swap3A_1137], %add3A_1131 {strides = array<i32>} : memref<4x128xi32, #tpu.memory_space<vmem>>, vector<16xi32>,
      %swap3A_1139 = arith.constant 448 : index
      %swap3A_1140 = tpu.vector_load %arg9[%swap3A_1139] {strides = array<i32>} : memref<512xi32, #tpu.memory_space<vmem>>, vector<16xi32>,
      tpu.vector_store %arg9[%swap3A_1139], %and3A_1134 {strides = array<i32>} : memref<512xi32, #tpu.memory_space<vmem>>, vector<16xi32>,
      %get3A_1141 = arith.constant 464 : index
      %get3A_1142 = tpu.vector_load %arg17[%get3A_1141] {strides = array<i32>} : memref<512xf32, #tpu.memory_space<vmem>>, vector<16xf32>,
      %add3A_1143 = arith.addf %gather3A, %get3A_1142 : vector<16xf32>
      %get3A_1144 = arith.constant 464 : index
      %get3A_1145 = tpu.vector_load %arg18[%get3A_1144] {strides = array<i32>} : memref<512xf32, #tpu.memory_space<vmem>>, vector<16xf32>,
      %add3A_1146 = arith.addf %gather3A_44, %get3A_1145 : vector<16xf32>
      %max3A_1147 = arith.constant 0.000000e+00 : f32
      %max3A_1148 = vector.broadcast %max3A_1147 : f32 to vector<16xf32>
      %max3A_1149 = arith.maximumf %add3A_1143, %max3A_1148 : vector<16xf32>
      %min3A_1150 = arith.constant 5.110000e+02 : f32
      %min3A_1151 = vector.broadcast %min3A_1150 : f32 to vector<16xf32>
      %min3A_1152 = arith.minimumf %max3A_1149, %min3A_1151 : vector<16xf32>
      %max3A_1153 = arith.constant 0.000000e+00 : f32
      %max3A_1154 = vector.broadcast %max3A_1153 : f32 to vector<16xf32>
      %max3A_1155 = arith.maximumf %add3A_1146, %max3A_1154 : vector<16xf32>
      %min3A_1156 = arith.constant 5.110000e+02 : f32
      %min3A_1157 = vector.broadcast %min3A_1156 : f32 to vector<16xf32>
      %min3A_1158 = arith.minimumf %max3A_1155, %min3A_1157 : vector<16xf32>
      %convert_element_type3A_1159 = arith.fptosi %min3A_1152 : vector<16xf32> to vector<16xi32>
      %mul3A_1160 = arith.constant 512 : i32
      %mul3A_1161 = vector.broadcast %mul3A_1160 : i32 to vector<16xi32>
      %mul3A_1162 = arith.muli %convert_element_type3A_1159, %mul3A_1161 : vector<16xi32>
      %convert_element_type3A_1163 = arith.fptosi %min3A_1158 : vector<16xf32> to vector<16xi32>
      %add3A_1164 = arith.addi %mul3A_1162, %convert_element_type3A_1163 : vector<16xi32>
      %shift_right_arithmetic3A_1165 = arith.constant 4 : i32
      %shift_right_arithmetic3A_1166 = vector.broadcast %shift_right_arithmetic3A_1165 : i32 to vector<16xi32>
      %shift_right_arithmetic3A_1167 = arith.shrsi %add3A_1164, %shift_right_arithmetic3A_1166 : vector<16xi32>
      %add3A_1168 = vector.broadcast %mul3A_37 : i32 to vector<16xi32>
      %add3A_1169 = arith.addi %shift_right_arithmetic3A_1167, %add3A_1168 : vector<16xi32>
      %and3A_1170 = arith.constant 15 : i32
      %and3A_1171 = vector.broadcast %and3A_1170 : i32 to vector<16xi32>
      %and3A_1172 = arith.andi %add3A_1164, %and3A_1171 : vector<16xi32>
      %swap3A_1173 = arith.constant 3 : i32
      %swap3A_1174 = arith.index_cast %swap3A_1173 : i32 to index
      %swap3A_1175 = arith.constant 80 : index
      %swap3A_1176 = tpu.vector_load %arg8[%swap3A_1174, %swap3A_1175] {strides = array<i32>} : memref<4x128xi32, #tpu.memory_space<vmem>>, vector<16xi32>,
      tpu.vector_store %arg8[%swap3A_1174, %swap3A_1175], %add3A_1169 {strides = array<i32>} : memref<4x128xi32, #tpu.memory_space<vmem>>, vector<16xi32>,
      %swap3A_1177 = arith.constant 464 : index
      %swap3A_1178 = tpu.vector_load %arg9[%swap3A_1177] {strides = array<i32>} : memref<512xi32, #tpu.memory_space<vmem>>, vector<16xi32>,
      tpu.vector_store %arg9[%swap3A_1177], %and3A_1172 {strides = array<i32>} : memref<512xi32, #tpu.memory_space<vmem>>, vector<16xi32>,
      %get3A_1179 = arith.constant 480 : index
      %get3A_1180 = tpu.vector_load %arg17[%get3A_1179] {strides = array<i32>} : memref<512xf32, #tpu.memory_space<vmem>>, vector<16xf32>,
      %add3A_1181 = arith.addf %gather3A, %get3A_1180 : vector<16xf32>
      %get3A_1182 = arith.constant 480 : index
      %get3A_1183 = tpu.vector_load %arg18[%get3A_1182] {strides = array<i32>} : memref<512xf32, #tpu.memory_space<vmem>>, vector<16xf32>,
      %add3A_1184 = arith.addf %gather3A_44, %get3A_1183 : vector<16xf32>
      %max3A_1185 = arith.constant 0.000000e+00 : f32
      %max3A_1186 = vector.broadcast %max3A_1185 : f32 to vector<16xf32>
      %max3A_1187 = arith.maximumf %add3A_1181, %max3A_1186 : vector<16xf32>
      %min3A_1188 = arith.constant 5.110000e+02 : f32
      %min3A_1189 = vector.broadcast %min3A_1188 : f32 to vector<16xf32>
      %min3A_1190 = arith.minimumf %max3A_1187, %min3A_1189 : vector<16xf32>
      %max3A_1191 = arith.constant 0.000000e+00 : f32
      %max3A_1192 = vector.broadcast %max3A_1191 : f32 to vector<16xf32>
      %max3A_1193 = arith.maximumf %add3A_1184, %max3A_1192 : vector<16xf32>
      %min3A_1194 = arith.constant 5.110000e+02 : f32
      %min3A_1195 = vector.broadcast %min3A_1194 : f32 to vector<16xf32>
      %min3A_1196 = arith.minimumf %max3A_1193, %min3A_1195 : vector<16xf32>
      %convert_element_type3A_1197 = arith.fptosi %min3A_1190 : vector<16xf32> to vector<16xi32>
      %mul3A_1198 = arith.constant 512 : i32
      %mul3A_1199 = vector.broadcast %mul3A_1198 : i32 to vector<16xi32>
      %mul3A_1200 = arith.muli %convert_element_type3A_1197, %mul3A_1199 : vector<16xi32>
      %convert_element_type3A_1201 = arith.fptosi %min3A_1196 : vector<16xf32> to vector<16xi32>
      %add3A_1202 = arith.addi %mul3A_1200, %convert_element_type3A_1201 : vector<16xi32>
      %shift_right_arithmetic3A_1203 = arith.constant 4 : i32
      %shift_right_arithmetic3A_1204 = vector.broadcast %shift_right_arithmetic3A_1203 : i32 to vector<16xi32>
      %shift_right_arithmetic3A_1205 = arith.shrsi %add3A_1202, %shift_right_arithmetic3A_1204 : vector<16xi32>
      %add3A_1206 = vector.broadcast %mul3A_37 : i32 to vector<16xi32>
      %add3A_1207 = arith.addi %shift_right_arithmetic3A_1205, %add3A_1206 : vector<16xi32>
      %and3A_1208 = arith.constant 15 : i32
      %and3A_1209 = vector.broadcast %and3A_1208 : i32 to vector<16xi32>
      %and3A_1210 = arith.andi %add3A_1202, %and3A_1209 : vector<16xi32>
      %swap3A_1211 = arith.constant 3 : i32
      %swap3A_1212 = arith.index_cast %swap3A_1211 : i32 to index
      %swap3A_1213 = arith.constant 96 : index
      %swap3A_1214 = tpu.vector_load %arg8[%swap3A_1212, %swap3A_1213] {strides = array<i32>} : memref<4x128xi32, #tpu.memory_space<vmem>>, vector<16xi32>,
      tpu.vector_store %arg8[%swap3A_1212, %swap3A_1213], %add3A_1207 {strides = array<i32>} : memref<4x128xi32, #tpu.memory_space<vmem>>, vector<16xi32>,
      %swap3A_1215 = arith.constant 480 : index
      %swap3A_1216 = tpu.vector_load %arg9[%swap3A_1215] {strides = array<i32>} : memref<512xi32, #tpu.memory_space<vmem>>, vector<16xi32>,
      tpu.vector_store %arg9[%swap3A_1215], %and3A_1210 {strides = array<i32>} : memref<512xi32, #tpu.memory_space<vmem>>, vector<16xi32>,
      %get3A_1217 = arith.constant 496 : index
      %get3A_1218 = tpu.vector_load %arg17[%get3A_1217] {strides = array<i32>} : memref<512xf32, #tpu.memory_space<vmem>>, vector<16xf32>,
      %add3A_1219 = arith.addf %gather3A, %get3A_1218 : vector<16xf32>
      %get3A_1220 = arith.constant 496 : index
      %get3A_1221 = tpu.vector_load %arg18[%get3A_1220] {strides = array<i32>} : memref<512xf32, #tpu.memory_space<vmem>>, vector<16xf32>,
      %add3A_1222 = arith.addf %gather3A_44, %get3A_1221 : vector<16xf32>
      %max3A_1223 = arith.constant 0.000000e+00 : f32
      %max3A_1224 = vector.broadcast %max3A_1223 : f32 to vector<16xf32>
      %max3A_1225 = arith.maximumf %add3A_1219, %max3A_1224 : vector<16xf32>
      %min3A_1226 = arith.constant 5.110000e+02 : f32
      %min3A_1227 = vector.broadcast %min3A_1226 : f32 to vector<16xf32>
      %min3A_1228 = arith.minimumf %max3A_1225, %min3A_1227 : vector<16xf32>
      %max3A_1229 = arith.constant 0.000000e+00 : f32
      %max3A_1230 = vector.broadcast %max3A_1229 : f32 to vector<16xf32>
      %max3A_1231 = arith.maximumf %add3A_1222, %max3A_1230 : vector<16xf32>
      %min3A_1232 = arith.constant 5.110000e+02 : f32
      %min3A_1233 = vector.broadcast %min3A_1232 : f32 to vector<16xf32>
      %min3A_1234 = arith.minimumf %max3A_1231, %min3A_1233 : vector<16xf32>
      %convert_element_type3A_1235 = arith.fptosi %min3A_1228 : vector<16xf32> to vector<16xi32>
      %mul3A_1236 = arith.constant 512 : i32
      %mul3A_1237 = vector.broadcast %mul3A_1236 : i32 to vector<16xi32>
      %mul3A_1238 = arith.muli %convert_element_type3A_1235, %mul3A_1237 : vector<16xi32>
      %convert_element_type3A_1239 = arith.fptosi %min3A_1234 : vector<16xf32> to vector<16xi32>
      %add3A_1240 = arith.addi %mul3A_1238, %convert_element_type3A_1239 : vector<16xi32>
      %shift_right_arithmetic3A_1241 = arith.constant 4 : i32
      %shift_right_arithmetic3A_1242 = vector.broadcast %shift_right_arithmetic3A_1241 : i32 to vector<16xi32>
      %shift_right_arithmetic3A_1243 = arith.shrsi %add3A_1240, %shift_right_arithmetic3A_1242 : vector<16xi32>
      %add3A_1244 = vector.broadcast %mul3A_37 : i32 to vector<16xi32>
      %add3A_1245 = arith.addi %shift_right_arithmetic3A_1243, %add3A_1244 : vector<16xi32>
      %and3A_1246 = arith.constant 15 : i32
      %and3A_1247 = vector.broadcast %and3A_1246 : i32 to vector<16xi32>
      %and3A_1248 = arith.andi %add3A_1240, %and3A_1247 : vector<16xi32>
      %swap3A_1249 = arith.constant 3 : i32
      %swap3A_1250 = arith.index_cast %swap3A_1249 : i32 to index
      %swap3A_1251 = arith.constant 112 : index
      %swap3A_1252 = tpu.vector_load %arg8[%swap3A_1250, %swap3A_1251] {strides = array<i32>} : memref<4x128xi32, #tpu.memory_space<vmem>>, vector<16xi32>,
      tpu.vector_store %arg8[%swap3A_1250, %swap3A_1251], %add3A_1245 {strides = array<i32>} : memref<4x128xi32, #tpu.memory_space<vmem>>, vector<16xi32>,
      %swap3A_1253 = arith.constant 496 : index
      %swap3A_1254 = tpu.vector_load %arg9[%swap3A_1253] {strides = array<i32>} : memref<512xi32, #tpu.memory_space<vmem>>, vector<16xi32>,
      tpu.vector_store %arg9[%swap3A_1253], %and3A_1248 {strides = array<i32>} : memref<512xi32, #tpu.memory_space<vmem>>, vector<16xi32>,
      %dma_start3A = arith.constant 0 : i32
      %dma_start3A_1255 = arith.constant 0 : i32
      %dma_start3A_1256 = tpu.memref_slice %arg8[%dma_start3A, %dma_start3A_1255] : memref<4x128xi32, #tpu.memory_space<vmem>> -> memref<1x128xi32, #tpu.memory_space<vmem>>
      %dma_start3A_1257 = tpu.memref_squeeze %dma_start3A_1256 : memref<1x128xi32, #tpu.memory_space<vmem>> -> memref<128xi32, #tpu.memory_space<vmem>>
      %dma_start3A_1258 = arith.constant 0 : i32
      %dma_start3A_1259 = arith.constant 0 : i32
      %dma_start3A_1260 = tpu.memref_slice %arg2[%dma_start3A_1258, %dma_start3A_1259] : memref<131072x16xf32, #tpu.memory_space<hbm>> -> memref<131072x16xf32, #tpu.memory_space<hbm>>
      tpu.enqueue_indirect_dma source(%dma_start3A_1260 : memref<131072x16xf32, #tpu.memory_space<hbm>>) target(%arg10 : memref<128x16xf32, #tpu.memory_space<vmem>>) offsets(%dma_start3A_1257 : memref<128xi32, #tpu.memory_space<vmem>>) semaphore(%arg19 : memref<!tpu.dma_semaphore, #tpu.memory_space<semaphore_mem>>)
      %dma_wait3A = arith.constant 0 : i32
      %dma_wait3A_1261 = arith.constant 0 : i32
      %dma_wait3A_1262 = tpu.memref_slice %arg8[%dma_wait3A, %dma_wait3A_1261] : memref<4x128xi32, #tpu.memory_space<vmem>> -> memref<1x128xi32, #tpu.memory_space<vmem>>
      %dma_wait3A_1263 = tpu.memref_squeeze %dma_wait3A_1262 : memref<1x128xi32, #tpu.memory_space<vmem>> -> memref<128xi32, #tpu.memory_space<vmem>>
      %dma_wait3A_1264 = arith.constant 0 : i32
      %dma_wait3A_1265 = arith.constant 0 : i32
      %dma_wait3A_1266 = tpu.memref_slice %arg2[%dma_wait3A_1264, %dma_wait3A_1265] : memref<131072x16xf32, #tpu.memory_space<hbm>> -> memref<131072x16xf32, #tpu.memory_space<hbm>>
      tpu.wait_indirect_dma semaphore(%arg19 : memref<!tpu.dma_semaphore, #tpu.memory_space<semaphore_mem>>) src(%dma_wait3A_1266 : memref<131072x16xf32, #tpu.memory_space<hbm>>) dst(%arg10 : memref<128x16xf32, #tpu.memory_space<vmem>>)
      %dma_start3A_1267 = arith.constant 1 : i32
      %dma_start3A_1268 = arith.constant 0 : i32
      %dma_start3A_1269 = tpu.memref_slice %arg8[%dma_start3A_1267, %dma_start3A_1268] : memref<4x128xi32, #tpu.memory_space<vmem>> -> memref<1x128xi32, #tpu.memory_space<vmem>>
      %dma_start3A_1270 = tpu.memref_squeeze %dma_start3A_1269 : memref<1x128xi32, #tpu.memory_space<vmem>> -> memref<128xi32, #tpu.memory_space<vmem>>
      %dma_start3A_1271 = arith.constant 0 : i32
      %dma_start3A_1272 = arith.constant 0 : i32
      %dma_start3A_1273 = tpu.memref_slice %arg2[%dma_start3A_1271, %dma_start3A_1272] : memref<131072x16xf32, #tpu.memory_space<hbm>> -> memref<131072x16xf32, #tpu.memory_space<hbm>>
      tpu.enqueue_indirect_dma source(%dma_start3A_1273 : memref<131072x16xf32, #tpu.memory_space<hbm>>) target(%arg11 : memref<128x16xf32, #tpu.memory_space<vmem>>) offsets(%dma_start3A_1270 : memref<128xi32, #tpu.memory_space<vmem>>) semaphore(%arg19 : memref<!tpu.dma_semaphore, #tpu.memory_space<semaphore_mem>>)
      %dma_wait3A_1274 = arith.constant 1 : i32
      %dma_wait3A_1275 = arith.constant 0 : i32
      %dma_wait3A_1276 = tpu.memref_slice %arg8[%dma_wait3A_1274, %dma_wait3A_1275] : memref<4x128xi32, #tpu.memory_space<vmem>> -> memref<1x128xi32, #tpu.memory_space<vmem>>
      %dma_wait3A_1277 = tpu.memref_squeeze %dma_wait3A_1276 : memref<1x128xi32, #tpu.memory_space<vmem>> -> memref<128xi32, #tpu.memory_space<vmem>>
      %dma_wait3A_1278 = arith.constant 0 : i32
      %dma_wait3A_1279 = arith.constant 0 : i32
      %dma_wait3A_1280 = tpu.memref_slice %arg2[%dma_wait3A_1278, %dma_wait3A_1279] : memref<131072x16xf32, #tpu.memory_space<hbm>> -> memref<131072x16xf32, #tpu.memory_space<hbm>>
      tpu.wait_indirect_dma semaphore(%arg19 : memref<!tpu.dma_semaphore, #tpu.memory_space<semaphore_mem>>) src(%dma_wait3A_1280 : memref<131072x16xf32, #tpu.memory_space<hbm>>) dst(%arg11 : memref<128x16xf32, #tpu.memory_space<vmem>>)
      %dma_start3A_1281 = arith.constant 2 : i32
      %dma_start3A_1282 = arith.constant 0 : i32
      %dma_start3A_1283 = tpu.memref_slice %arg8[%dma_start3A_1281, %dma_start3A_1282] : memref<4x128xi32, #tpu.memory_space<vmem>> -> memref<1x128xi32, #tpu.memory_space<vmem>>
      %dma_start3A_1284 = tpu.memref_squeeze %dma_start3A_1283 : memref<1x128xi32, #tpu.memory_space<vmem>> -> memref<128xi32, #tpu.memory_space<vmem>>
      %dma_start3A_1285 = arith.constant 0 : i32
      %dma_start3A_1286 = arith.constant 0 : i32
      %dma_start3A_1287 = tpu.memref_slice %arg2[%dma_start3A_1285, %dma_start3A_1286] : memref<131072x16xf32, #tpu.memory_space<hbm>> -> memref<131072x16xf32, #tpu.memory_space<hbm>>
      tpu.enqueue_indirect_dma source(%dma_start3A_1287 : memref<131072x16xf32, #tpu.memory_space<hbm>>) target(%arg12 : memref<128x16xf32, #tpu.memory_space<vmem>>) offsets(%dma_start3A_1284 : memref<128xi32, #tpu.memory_space<vmem>>) semaphore(%arg19 : memref<!tpu.dma_semaphore, #tpu.memory_space<semaphore_mem>>)
      %dma_wait3A_1288 = arith.constant 2 : i32
      %dma_wait3A_1289 = arith.constant 0 : i32
      %dma_wait3A_1290 = tpu.memref_slice %arg8[%dma_wait3A_1288, %dma_wait3A_1289] : memref<4x128xi32, #tpu.memory_space<vmem>> -> memref<1x128xi32, #tpu.memory_space<vmem>>
      %dma_wait3A_1291 = tpu.memref_squeeze %dma_wait3A_1290 : memref<1x128xi32, #tpu.memory_space<vmem>> -> memref<128xi32, #tpu.memory_space<vmem>>
      %dma_wait3A_1292 = arith.constant 0 : i32
      %dma_wait3A_1293 = arith.constant 0 : i32
      %dma_wait3A_1294 = tpu.memref_slice %arg2[%dma_wait3A_1292, %dma_wait3A_1293] : memref<131072x16xf32, #tpu.memory_space<hbm>> -> memref<131072x16xf32, #tpu.memory_space<hbm>>
      tpu.wait_indirect_dma semaphore(%arg19 : memref<!tpu.dma_semaphore, #tpu.memory_space<semaphore_mem>>) src(%dma_wait3A_1294 : memref<131072x16xf32, #tpu.memory_space<hbm>>) dst(%arg12 : memref<128x16xf32, #tpu.memory_space<vmem>>)
      %dma_start3A_1295 = arith.constant 3 : i32
      %dma_start3A_1296 = arith.constant 0 : i32
      %dma_start3A_1297 = tpu.memref_slice %arg8[%dma_start3A_1295, %dma_start3A_1296] : memref<4x128xi32, #tpu.memory_space<vmem>> -> memref<1x128xi32, #tpu.memory_space<vmem>>
      %dma_start3A_1298 = tpu.memref_squeeze %dma_start3A_1297 : memref<1x128xi32, #tpu.memory_space<vmem>> -> memref<128xi32, #tpu.memory_space<vmem>>
      %dma_start3A_1299 = arith.constant 0 : i32
      %dma_start3A_1300 = arith.constant 0 : i32
      %dma_start3A_1301 = tpu.memref_slice %arg2[%dma_start3A_1299, %dma_start3A_1300] : memref<131072x16xf32, #tpu.memory_space<hbm>> -> memref<131072x16xf32, #tpu.memory_space<hbm>>
      tpu.enqueue_indirect_dma source(%dma_start3A_1301 : memref<131072x16xf32, #tpu.memory_space<hbm>>) target(%arg13 : memref<128x16xf32, #tpu.memory_space<vmem>>) offsets(%dma_start3A_1298 : memref<128xi32, #tpu.memory_space<vmem>>) semaphore(%arg19 : memref<!tpu.dma_semaphore, #tpu.memory_space<semaphore_mem>>)
      %dma_wait3A_1302 = arith.constant 3 : i32
      %dma_wait3A_1303 = arith.constant 0 : i32
      %dma_wait3A_1304 = tpu.memref_slice %arg8[%dma_wait3A_1302, %dma_wait3A_1303] : memref<4x128xi32, #tpu.memory_space<vmem>> -> memref<1x128xi32, #tpu.memory_space<vmem>>
      %dma_wait3A_1305 = tpu.memref_squeeze %dma_wait3A_1304 : memref<1x128xi32, #tpu.memory_space<vmem>> -> memref<128xi32, #tpu.memory_space<vmem>>
      %dma_wait3A_1306 = arith.constant 0 : i32
      %dma_wait3A_1307 = arith.constant 0 : i32
      %dma_wait3A_1308 = tpu.memref_slice %arg2[%dma_wait3A_1306, %dma_wait3A_1307] : memref<131072x16xf32, #tpu.memory_space<hbm>> -> memref<131072x16xf32, #tpu.memory_space<hbm>>
      tpu.wait_indirect_dma semaphore(%arg19 : memref<!tpu.dma_semaphore, #tpu.memory_space<semaphore_mem>>) src(%dma_wait3A_1308 : memref<131072x16xf32, #tpu.memory_space<hbm>>) dst(%arg13 : memref<128x16xf32, #tpu.memory_space<vmem>>)
      %add3A_1309 = arith.constant 0 : i32
      %add3A_1310 = vector.broadcast %add3A_1309 : i32 to vector<16xi32>
      %add3A_1311 = arith.addi %iota3A, %add3A_1310 : vector<16xi32>
      %get3A_1312 = arith.constant 0 : index
      %get3A_1313 = tpu.vector_load %arg9[%get3A_1312] {strides = array<i32>} : memref<512xi32, #tpu.memory_space<vmem>>, vector<16xi32>,
      %get3A_1314 = arith.constant 256 : index
      %get3A_1315 = tpu.vector_load %arg9[%get3A_1314] {strides = array<i32>} : memref<512xi32, #tpu.memory_space<vmem>>, vector<16xi32>,
      %gather3A_1316 = tpu.vector_load_idx %arg10[%add3A_1311, %get3A_1313] : memref<128x16xf32, #tpu.memory_space<vmem>>[vector<16xi32>, vector<16xi32>], vector<16xf32>,
      %gather3A_1317 = tpu.vector_load_idx %arg12[%add3A_1311, %get3A_1315] : memref<128x16xf32, #tpu.memory_space<vmem>>[vector<16xi32>, vector<16xi32>], vector<16xf32>,
      %sub3A_1318 = arith.subf %gather3A_1316, %gather3A_1317 : vector<16xf32>
      %swap3A_1319 = arith.constant 0 : index
      %swap3A_1320 = tpu.vector_load %arg14[%swap3A_1319] {strides = array<i32>} : memref<256xf32, #tpu.memory_space<vmem>>, vector<16xf32>,
      tpu.vector_store %arg14[%swap3A_1319], %sub3A_1318 {strides = array<i32>} : memref<256xf32, #tpu.memory_space<vmem>>, vector<16xf32>,
      %add3A_1321 = arith.constant 16 : i32
      %add3A_1322 = vector.broadcast %add3A_1321 : i32 to vector<16xi32>
      %add3A_1323 = arith.addi %iota3A, %add3A_1322 : vector<16xi32>
      %get3A_1324 = arith.constant 16 : index
      %get3A_1325 = tpu.vector_load %arg9[%get3A_1324] {strides = array<i32>} : memref<512xi32, #tpu.memory_space<vmem>>, vector<16xi32>,
      %get3A_1326 = arith.constant 272 : index
      %get3A_1327 = tpu.vector_load %arg9[%get3A_1326] {strides = array<i32>} : memref<512xi32, #tpu.memory_space<vmem>>, vector<16xi32>,
      %gather3A_1328 = tpu.vector_load_idx %arg10[%add3A_1323, %get3A_1325] : memref<128x16xf32, #tpu.memory_space<vmem>>[vector<16xi32>, vector<16xi32>], vector<16xf32>,
      %gather3A_1329 = tpu.vector_load_idx %arg12[%add3A_1323, %get3A_1327] : memref<128x16xf32, #tpu.memory_space<vmem>>[vector<16xi32>, vector<16xi32>], vector<16xf32>,
      %sub3A_1330 = arith.subf %gather3A_1328, %gather3A_1329 : vector<16xf32>
      %swap3A_1331 = arith.constant 16 : index
      %swap3A_1332 = tpu.vector_load %arg14[%swap3A_1331] {strides = array<i32>} : memref<256xf32, #tpu.memory_space<vmem>>, vector<16xf32>,
      tpu.vector_store %arg14[%swap3A_1331], %sub3A_1330 {strides = array<i32>} : memref<256xf32, #tpu.memory_space<vmem>>, vector<16xf32>,
      %add3A_1333 = arith.constant 32 : i32
      %add3A_1334 = vector.broadcast %add3A_1333 : i32 to vector<16xi32>
      %add3A_1335 = arith.addi %iota3A, %add3A_1334 : vector<16xi32>
      %get3A_1336 = arith.constant 32 : index
      %get3A_1337 = tpu.vector_load %arg9[%get3A_1336] {strides = array<i32>} : memref<512xi32, #tpu.memory_space<vmem>>, vector<16xi32>,
      %get3A_1338 = arith.constant 288 : index
      %get3A_1339 = tpu.vector_load %arg9[%get3A_1338] {strides = array<i32>} : memref<512xi32, #tpu.memory_space<vmem>>, vector<16xi32>,
      %gather3A_1340 = tpu.vector_load_idx %arg10[%add3A_1335, %get3A_1337] : memref<128x16xf32, #tpu.memory_space<vmem>>[vector<16xi32>, vector<16xi32>], vector<16xf32>,
      %gather3A_1341 = tpu.vector_load_idx %arg12[%add3A_1335, %get3A_1339] : memref<128x16xf32, #tpu.memory_space<vmem>>[vector<16xi32>, vector<16xi32>], vector<16xf32>,
      %sub3A_1342 = arith.subf %gather3A_1340, %gather3A_1341 : vector<16xf32>
      %swap3A_1343 = arith.constant 32 : index
      %swap3A_1344 = tpu.vector_load %arg14[%swap3A_1343] {strides = array<i32>} : memref<256xf32, #tpu.memory_space<vmem>>, vector<16xf32>,
      tpu.vector_store %arg14[%swap3A_1343], %sub3A_1342 {strides = array<i32>} : memref<256xf32, #tpu.memory_space<vmem>>, vector<16xf32>,
      %add3A_1345 = arith.constant 48 : i32
      %add3A_1346 = vector.broadcast %add3A_1345 : i32 to vector<16xi32>
      %add3A_1347 = arith.addi %iota3A, %add3A_1346 : vector<16xi32>
      %get3A_1348 = arith.constant 48 : index
      %get3A_1349 = tpu.vector_load %arg9[%get3A_1348] {strides = array<i32>} : memref<512xi32, #tpu.memory_space<vmem>>, vector<16xi32>,
      %get3A_1350 = arith.constant 304 : index
      %get3A_1351 = tpu.vector_load %arg9[%get3A_1350] {strides = array<i32>} : memref<512xi32, #tpu.memory_space<vmem>>, vector<16xi32>,
      %gather3A_1352 = tpu.vector_load_idx %arg10[%add3A_1347, %get3A_1349] : memref<128x16xf32, #tpu.memory_space<vmem>>[vector<16xi32>, vector<16xi32>], vector<16xf32>,
      %gather3A_1353 = tpu.vector_load_idx %arg12[%add3A_1347, %get3A_1351] : memref<128x16xf32, #tpu.memory_space<vmem>>[vector<16xi32>, vector<16xi32>], vector<16xf32>,
      %sub3A_1354 = arith.subf %gather3A_1352, %gather3A_1353 : vector<16xf32>
      %swap3A_1355 = arith.constant 48 : index
      %swap3A_1356 = tpu.vector_load %arg14[%swap3A_1355] {strides = array<i32>} : memref<256xf32, #tpu.memory_space<vmem>>, vector<16xf32>,
      tpu.vector_store %arg14[%swap3A_1355], %sub3A_1354 {strides = array<i32>} : memref<256xf32, #tpu.memory_space<vmem>>, vector<16xf32>,
      %add3A_1357 = arith.constant 64 : i32
      %add3A_1358 = vector.broadcast %add3A_1357 : i32 to vector<16xi32>
      %add3A_1359 = arith.addi %iota3A, %add3A_1358 : vector<16xi32>
      %get3A_1360 = arith.constant 64 : index
      %get3A_1361 = tpu.vector_load %arg9[%get3A_1360] {strides = array<i32>} : memref<512xi32, #tpu.memory_space<vmem>>, vector<16xi32>,
      %get3A_1362 = arith.constant 320 : index
      %get3A_1363 = tpu.vector_load %arg9[%get3A_1362] {strides = array<i32>} : memref<512xi32, #tpu.memory_space<vmem>>, vector<16xi32>,
      %gather3A_1364 = tpu.vector_load_idx %arg10[%add3A_1359, %get3A_1361] : memref<128x16xf32, #tpu.memory_space<vmem>>[vector<16xi32>, vector<16xi32>], vector<16xf32>,
      %gather3A_1365 = tpu.vector_load_idx %arg12[%add3A_1359, %get3A_1363] : memref<128x16xf32, #tpu.memory_space<vmem>>[vector<16xi32>, vector<16xi32>], vector<16xf32>,
      %sub3A_1366 = arith.subf %gather3A_1364, %gather3A_1365 : vector<16xf32>
      %swap3A_1367 = arith.constant 64 : index
      %swap3A_1368 = tpu.vector_load %arg14[%swap3A_1367] {strides = array<i32>} : memref<256xf32, #tpu.memory_space<vmem>>, vector<16xf32>,
      tpu.vector_store %arg14[%swap3A_1367], %sub3A_1366 {strides = array<i32>} : memref<256xf32, #tpu.memory_space<vmem>>, vector<16xf32>,
      %add3A_1369 = arith.constant 80 : i32
      %add3A_1370 = vector.broadcast %add3A_1369 : i32 to vector<16xi32>
      %add3A_1371 = arith.addi %iota3A, %add3A_1370 : vector<16xi32>
      %get3A_1372 = arith.constant 80 : index
      %get3A_1373 = tpu.vector_load %arg9[%get3A_1372] {strides = array<i32>} : memref<512xi32, #tpu.memory_space<vmem>>, vector<16xi32>,
      %get3A_1374 = arith.constant 336 : index
      %get3A_1375 = tpu.vector_load %arg9[%get3A_1374] {strides = array<i32>} : memref<512xi32, #tpu.memory_space<vmem>>, vector<16xi32>,
      %gather3A_1376 = tpu.vector_load_idx %arg10[%add3A_1371, %get3A_1373] : memref<128x16xf32, #tpu.memory_space<vmem>>[vector<16xi32>, vector<16xi32>], vector<16xf32>,
      %gather3A_1377 = tpu.vector_load_idx %arg12[%add3A_1371, %get3A_1375] : memref<128x16xf32, #tpu.memory_space<vmem>>[vector<16xi32>, vector<16xi32>], vector<16xf32>,
      %sub3A_1378 = arith.subf %gather3A_1376, %gather3A_1377 : vector<16xf32>
      %swap3A_1379 = arith.constant 80 : index
      %swap3A_1380 = tpu.vector_load %arg14[%swap3A_1379] {strides = array<i32>} : memref<256xf32, #tpu.memory_space<vmem>>, vector<16xf32>,
      tpu.vector_store %arg14[%swap3A_1379], %sub3A_1378 {strides = array<i32>} : memref<256xf32, #tpu.memory_space<vmem>>, vector<16xf32>,
      %add3A_1381 = arith.constant 96 : i32
      %add3A_1382 = vector.broadcast %add3A_1381 : i32 to vector<16xi32>
      %add3A_1383 = arith.addi %iota3A, %add3A_1382 : vector<16xi32>
      %get3A_1384 = arith.constant 96 : index
      %get3A_1385 = tpu.vector_load %arg9[%get3A_1384] {strides = array<i32>} : memref<512xi32, #tpu.memory_space<vmem>>, vector<16xi32>,
      %get3A_1386 = arith.constant 352 : index
      %get3A_1387 = tpu.vector_load %arg9[%get3A_1386] {strides = array<i32>} : memref<512xi32, #tpu.memory_space<vmem>>, vector<16xi32>,
      %gather3A_1388 = tpu.vector_load_idx %arg10[%add3A_1383, %get3A_1385] : memref<128x16xf32, #tpu.memory_space<vmem>>[vector<16xi32>, vector<16xi32>], vector<16xf32>,
      %gather3A_1389 = tpu.vector_load_idx %arg12[%add3A_1383, %get3A_1387] : memref<128x16xf32, #tpu.memory_space<vmem>>[vector<16xi32>, vector<16xi32>], vector<16xf32>,
      %sub3A_1390 = arith.subf %gather3A_1388, %gather3A_1389 : vector<16xf32>
      %swap3A_1391 = arith.constant 96 : index
      %swap3A_1392 = tpu.vector_load %arg14[%swap3A_1391] {strides = array<i32>} : memref<256xf32, #tpu.memory_space<vmem>>, vector<16xf32>,
      tpu.vector_store %arg14[%swap3A_1391], %sub3A_1390 {strides = array<i32>} : memref<256xf32, #tpu.memory_space<vmem>>, vector<16xf32>,
      %add3A_1393 = arith.constant 112 : i32
      %add3A_1394 = vector.broadcast %add3A_1393 : i32 to vector<16xi32>
      %add3A_1395 = arith.addi %iota3A, %add3A_1394 : vector<16xi32>
      %get3A_1396 = arith.constant 112 : index
      %get3A_1397 = tpu.vector_load %arg9[%get3A_1396] {strides = array<i32>} : memref<512xi32, #tpu.memory_space<vmem>>, vector<16xi32>,
      %get3A_1398 = arith.constant 368 : index
      %get3A_1399 = tpu.vector_load %arg9[%get3A_1398] {strides = array<i32>} : memref<512xi32, #tpu.memory_space<vmem>>, vector<16xi32>,
      %gather3A_1400 = tpu.vector_load_idx %arg10[%add3A_1395, %get3A_1397] : memref<128x16xf32, #tpu.memory_space<vmem>>[vector<16xi32>, vector<16xi32>], vector<16xf32>,
      %gather3A_1401 = tpu.vector_load_idx %arg12[%add3A_1395, %get3A_1399] : memref<128x16xf32, #tpu.memory_space<vmem>>[vector<16xi32>, vector<16xi32>], vector<16xf32>,
      %sub3A_1402 = arith.subf %gather3A_1400, %gather3A_1401 : vector<16xf32>
      %swap3A_1403 = arith.constant 112 : index
      %swap3A_1404 = tpu.vector_load %arg14[%swap3A_1403] {strides = array<i32>} : memref<256xf32, #tpu.memory_space<vmem>>, vector<16xf32>,
      tpu.vector_store %arg14[%swap3A_1403], %sub3A_1402 {strides = array<i32>} : memref<256xf32, #tpu.memory_space<vmem>>, vector<16xf32>,
      %add3A_1405 = arith.constant 0 : i32
      %add3A_1406 = vector.broadcast %add3A_1405 : i32 to vector<16xi32>
      %add3A_1407 = arith.addi %iota3A, %add3A_1406 : vector<16xi32>
      %get3A_1408 = arith.constant 128 : index
      %get3A_1409 = tpu.vector_load %arg9[%get3A_1408] {strides = array<i32>} : memref<512xi32, #tpu.memory_space<vmem>>, vector<16xi32>,
      %get3A_1410 = arith.constant 384 : index
      %get3A_1411 = tpu.vector_load %arg9[%get3A_1410] {strides = array<i32>} : memref<512xi32, #tpu.memory_space<vmem>>, vector<16xi32>,
      %gather3A_1412 = tpu.vector_load_idx %arg11[%add3A_1407, %get3A_1409] : memref<128x16xf32, #tpu.memory_space<vmem>>[vector<16xi32>, vector<16xi32>], vector<16xf32>,
      %gather3A_1413 = tpu.vector_load_idx %arg13[%add3A_1407, %get3A_1411] : memref<128x16xf32, #tpu.memory_space<vmem>>[vector<16xi32>, vector<16xi32>], vector<16xf32>,
      %sub3A_1414 = arith.subf %gather3A_1412, %gather3A_1413 : vector<16xf32>
      %swap3A_1415 = arith.constant 128 : index
      %swap3A_1416 = tpu.vector_load %arg14[%swap3A_1415] {strides = array<i32>} : memref<256xf32, #tpu.memory_space<vmem>>, vector<16xf32>,
      tpu.vector_store %arg14[%swap3A_1415], %sub3A_1414 {strides = array<i32>} : memref<256xf32, #tpu.memory_space<vmem>>, vector<16xf32>,
      %add3A_1417 = arith.constant 16 : i32
      %add3A_1418 = vector.broadcast %add3A_1417 : i32 to vector<16xi32>
      %add3A_1419 = arith.addi %iota3A, %add3A_1418 : vector<16xi32>
      %get3A_1420 = arith.constant 144 : index
      %get3A_1421 = tpu.vector_load %arg9[%get3A_1420] {strides = array<i32>} : memref<512xi32, #tpu.memory_space<vmem>>, vector<16xi32>,
      %get3A_1422 = arith.constant 400 : index
      %get3A_1423 = tpu.vector_load %arg9[%get3A_1422] {strides = array<i32>} : memref<512xi32, #tpu.memory_space<vmem>>, vector<16xi32>,
      %gather3A_1424 = tpu.vector_load_idx %arg11[%add3A_1419, %get3A_1421] : memref<128x16xf32, #tpu.memory_space<vmem>>[vector<16xi32>, vector<16xi32>], vector<16xf32>,
      %gather3A_1425 = tpu.vector_load_idx %arg13[%add3A_1419, %get3A_1423] : memref<128x16xf32, #tpu.memory_space<vmem>>[vector<16xi32>, vector<16xi32>], vector<16xf32>,
      %sub3A_1426 = arith.subf %gather3A_1424, %gather3A_1425 : vector<16xf32>
      %swap3A_1427 = arith.constant 144 : index
      %swap3A_1428 = tpu.vector_load %arg14[%swap3A_1427] {strides = array<i32>} : memref<256xf32, #tpu.memory_space<vmem>>, vector<16xf32>,
      tpu.vector_store %arg14[%swap3A_1427], %sub3A_1426 {strides = array<i32>} : memref<256xf32, #tpu.memory_space<vmem>>, vector<16xf32>,
      %add3A_1429 = arith.constant 32 : i32
      %add3A_1430 = vector.broadcast %add3A_1429 : i32 to vector<16xi32>
      %add3A_1431 = arith.addi %iota3A, %add3A_1430 : vector<16xi32>
      %get3A_1432 = arith.constant 160 : index
      %get3A_1433 = tpu.vector_load %arg9[%get3A_1432] {strides = array<i32>} : memref<512xi32, #tpu.memory_space<vmem>>, vector<16xi32>,
      %get3A_1434 = arith.constant 416 : index
      %get3A_1435 = tpu.vector_load %arg9[%get3A_1434] {strides = array<i32>} : memref<512xi32, #tpu.memory_space<vmem>>, vector<16xi32>,
      %gather3A_1436 = tpu.vector_load_idx %arg11[%add3A_1431, %get3A_1433] : memref<128x16xf32, #tpu.memory_space<vmem>>[vector<16xi32>, vector<16xi32>], vector<16xf32>,
      %gather3A_1437 = tpu.vector_load_idx %arg13[%add3A_1431, %get3A_1435] : memref<128x16xf32, #tpu.memory_space<vmem>>[vector<16xi32>, vector<16xi32>], vector<16xf32>,
      %sub3A_1438 = arith.subf %gather3A_1436, %gather3A_1437 : vector<16xf32>
      %swap3A_1439 = arith.constant 160 : index
      %swap3A_1440 = tpu.vector_load %arg14[%swap3A_1439] {strides = array<i32>} : memref<256xf32, #tpu.memory_space<vmem>>, vector<16xf32>,
      tpu.vector_store %arg14[%swap3A_1439], %sub3A_1438 {strides = array<i32>} : memref<256xf32, #tpu.memory_space<vmem>>, vector<16xf32>,
      %add3A_1441 = arith.constant 48 : i32
      %add3A_1442 = vector.broadcast %add3A_1441 : i32 to vector<16xi32>
      %add3A_1443 = arith.addi %iota3A, %add3A_1442 : vector<16xi32>
      %get3A_1444 = arith.constant 176 : index
      %get3A_1445 = tpu.vector_load %arg9[%get3A_1444] {strides = array<i32>} : memref<512xi32, #tpu.memory_space<vmem>>, vector<16xi32>,
      %get3A_1446 = arith.constant 432 : index
      %get3A_1447 = tpu.vector_load %arg9[%get3A_1446] {strides = array<i32>} : memref<512xi32, #tpu.memory_space<vmem>>, vector<16xi32>,
      %gather3A_1448 = tpu.vector_load_idx %arg11[%add3A_1443, %get3A_1445] : memref<128x16xf32, #tpu.memory_space<vmem>>[vector<16xi32>, vector<16xi32>], vector<16xf32>,
      %gather3A_1449 = tpu.vector_load_idx %arg13[%add3A_1443, %get3A_1447] : memref<128x16xf32, #tpu.memory_space<vmem>>[vector<16xi32>, vector<16xi32>], vector<16xf32>,
      %sub3A_1450 = arith.subf %gather3A_1448, %gather3A_1449 : vector<16xf32>
      %swap3A_1451 = arith.constant 176 : index
      %swap3A_1452 = tpu.vector_load %arg14[%swap3A_1451] {strides = array<i32>} : memref<256xf32, #tpu.memory_space<vmem>>, vector<16xf32>,
      tpu.vector_store %arg14[%swap3A_1451], %sub3A_1450 {strides = array<i32>} : memref<256xf32, #tpu.memory_space<vmem>>, vector<16xf32>,
      %add3A_1453 = arith.constant 64 : i32
      %add3A_1454 = vector.broadcast %add3A_1453 : i32 to vector<16xi32>
      %add3A_1455 = arith.addi %iota3A, %add3A_1454 : vector<16xi32>
      %get3A_1456 = arith.constant 192 : index
      %get3A_1457 = tpu.vector_load %arg9[%get3A_1456] {strides = array<i32>} : memref<512xi32, #tpu.memory_space<vmem>>, vector<16xi32>,
      %get3A_1458 = arith.constant 448 : index
      %get3A_1459 = tpu.vector_load %arg9[%get3A_1458] {strides = array<i32>} : memref<512xi32, #tpu.memory_space<vmem>>, vector<16xi32>,
      %gather3A_1460 = tpu.vector_load_idx %arg11[%add3A_1455, %get3A_1457] : memref<128x16xf32, #tpu.memory_space<vmem>>[vector<16xi32>, vector<16xi32>], vector<16xf32>,
      %gather3A_1461 = tpu.vector_load_idx %arg13[%add3A_1455, %get3A_1459] : memref<128x16xf32, #tpu.memory_space<vmem>>[vector<16xi32>, vector<16xi32>], vector<16xf32>,
      %sub3A_1462 = arith.subf %gather3A_1460, %gather3A_1461 : vector<16xf32>
      %swap3A_1463 = arith.constant 192 : index
      %swap3A_1464 = tpu.vector_load %arg14[%swap3A_1463] {strides = array<i32>} : memref<256xf32, #tpu.memory_space<vmem>>, vector<16xf32>,
      tpu.vector_store %arg14[%swap3A_1463], %sub3A_1462 {strides = array<i32>} : memref<256xf32, #tpu.memory_space<vmem>>, vector<16xf32>,
      %add3A_1465 = arith.constant 80 : i32
      %add3A_1466 = vector.broadcast %add3A_1465 : i32 to vector<16xi32>
      %add3A_1467 = arith.addi %iota3A, %add3A_1466 : vector<16xi32>
      %get3A_1468 = arith.constant 208 : index
      %get3A_1469 = tpu.vector_load %arg9[%get3A_1468] {strides = array<i32>} : memref<512xi32, #tpu.memory_space<vmem>>, vector<16xi32>,
      %get3A_1470 = arith.constant 464 : index
      %get3A_1471 = tpu.vector_load %arg9[%get3A_1470] {strides = array<i32>} : memref<512xi32, #tpu.memory_space<vmem>>, vector<16xi32>,
      %gather3A_1472 = tpu.vector_load_idx %arg11[%add3A_1467, %get3A_1469] : memref<128x16xf32, #tpu.memory_space<vmem>>[vector<16xi32>, vector<16xi32>], vector<16xf32>,
      %gather3A_1473 = tpu.vector_load_idx %arg13[%add3A_1467, %get3A_1471] : memref<128x16xf32, #tpu.memory_space<vmem>>[vector<16xi32>, vector<16xi32>], vector<16xf32>,
      %sub3A_1474 = arith.subf %gather3A_1472, %gather3A_1473 : vector<16xf32>
      %swap3A_1475 = arith.constant 208 : index
      %swap3A_1476 = tpu.vector_load %arg14[%swap3A_1475] {strides = array<i32>} : memref<256xf32, #tpu.memory_space<vmem>>, vector<16xf32>,
      tpu.vector_store %arg14[%swap3A_1475], %sub3A_1474 {strides = array<i32>} : memref<256xf32, #tpu.memory_space<vmem>>, vector<16xf32>,
      %add3A_1477 = arith.constant 96 : i32
      %add3A_1478 = vector.broadcast %add3A_1477 : i32 to vector<16xi32>
      %add3A_1479 = arith.addi %iota3A, %add3A_1478 : vector<16xi32>
      %get3A_1480 = arith.constant 224 : index
      %get3A_1481 = tpu.vector_load %arg9[%get3A_1480] {strides = array<i32>} : memref<512xi32, #tpu.memory_space<vmem>>, vector<16xi32>,
      %get3A_1482 = arith.constant 480 : index
      %get3A_1483 = tpu.vector_load %arg9[%get3A_1482] {strides = array<i32>} : memref<512xi32, #tpu.memory_space<vmem>>, vector<16xi32>,
      %gather3A_1484 = tpu.vector_load_idx %arg11[%add3A_1479, %get3A_1481] : memref<128x16xf32, #tpu.memory_space<vmem>>[vector<16xi32>, vector<16xi32>], vector<16xf32>,
      %gather3A_1485 = tpu.vector_load_idx %arg13[%add3A_1479, %get3A_1483] : memref<128x16xf32, #tpu.memory_space<vmem>>[vector<16xi32>, vector<16xi32>], vector<16xf32>,
      %sub3A_1486 = arith.subf %gather3A_1484, %gather3A_1485 : vector<16xf32>
      %swap3A_1487 = arith.constant 224 : index
      %swap3A_1488 = tpu.vector_load %arg14[%swap3A_1487] {strides = array<i32>} : memref<256xf32, #tpu.memory_space<vmem>>, vector<16xf32>,
      tpu.vector_store %arg14[%swap3A_1487], %sub3A_1486 {strides = array<i32>} : memref<256xf32, #tpu.memory_space<vmem>>, vector<16xf32>,
      %add3A_1489 = arith.constant 112 : i32
      %add3A_1490 = vector.broadcast %add3A_1489 : i32 to vector<16xi32>
      %add3A_1491 = arith.addi %iota3A, %add3A_1490 : vector<16xi32>
      %get3A_1492 = arith.constant 240 : index
      %get3A_1493 = tpu.vector_load %arg9[%get3A_1492] {strides = array<i32>} : memref<512xi32, #tpu.memory_space<vmem>>, vector<16xi32>,
      %get3A_1494 = arith.constant 496 : index
      %get3A_1495 = tpu.vector_load %arg9[%get3A_1494] {strides = array<i32>} : memref<512xi32, #tpu.memory_space<vmem>>, vector<16xi32>,
      %gather3A_1496 = tpu.vector_load_idx %arg11[%add3A_1491, %get3A_1493] : memref<128x16xf32, #tpu.memory_space<vmem>>[vector<16xi32>, vector<16xi32>], vector<16xf32>,
      %gather3A_1497 = tpu.vector_load_idx %arg13[%add3A_1491, %get3A_1495] : memref<128x16xf32, #tpu.memory_space<vmem>>[vector<16xi32>, vector<16xi32>], vector<16xf32>,
      %sub3A_1498 = arith.subf %gather3A_1496, %gather3A_1497 : vector<16xf32>
      %swap3A_1499 = arith.constant 240 : index
      %swap3A_1500 = tpu.vector_load %arg14[%swap3A_1499] {strides = array<i32>} : memref<256xf32, #tpu.memory_space<vmem>>, vector<16xf32>,
      tpu.vector_store %arg14[%swap3A_1499], %sub3A_1498 {strides = array<i32>} : memref<256xf32, #tpu.memory_space<vmem>>, vector<16xf32>,
      %add3A_1501 = arith.addi %add3A_35, %scan3A_43 : i32
      %mul3A_1502 = arith.constant 256 : i32
      %mul3A_1503 = arith.muli %add3A_1501, %mul3A_1502 : i32
      "tpu.region"() ({
        %run_scoped3A = tpu.sem_alloc : memref<!tpu.dma_semaphore, #tpu.memory_space<semaphore_mem>>
        %dma_start3A_1504 = tpu.memref_slice %arg7[%mul3A_1503] : memref<2097152xf32, #tpu.memory_space<hbm>> -> memref<256xf32, #tpu.memory_space<hbm>>
        %dma_start3A_1505 = tpu.memref_slice %arg7[%mul3A_1503] : memref<2097152xf32, #tpu.memory_space<hbm>> -> memref<256xf32, #tpu.memory_space<hbm>>
        tpu.enqueue_dma source(%arg14 : memref<256xf32, #tpu.memory_space<vmem>>) target(%dma_start3A_1505 : memref<256xf32, #tpu.memory_space<hbm>>) target_semaphore(%run_scoped3A : memref<!tpu.dma_semaphore, #tpu.memory_space<semaphore_mem>>)
        %dma_wait3A_1506 = tpu.memref_slice %arg7[%mul3A_1503] : memref<2097152xf32, #tpu.memory_space<hbm>> -> memref<256xf32, #tpu.memory_space<hbm>>
        %dma_wait3A_1507 = tpu.memref_slice %arg7[%mul3A_1503] : memref<2097152xf32, #tpu.memory_space<hbm>> -> memref<256xf32, #tpu.memory_space<hbm>>
        tpu.wait_dma2 semaphore(%run_scoped3A : memref<!tpu.dma_semaphore, #tpu.memory_space<semaphore_mem>>) src(%arg14 : memref<256xf32, #tpu.memory_space<vmem>>) dst(%dma_wait3A_1507 : memref<256xf32, #tpu.memory_space<hbm>>)
        tpu.yield
      }) : () -> ()
    }
    %scan3A_42 = arith.constant 256 : i32
    return
  }
}

module attributes {stable_mosaic.version = 14 : i64} {
  func.func @_sinkhorn_body(%arg0: i32, %arg1: memref<1x1024x256xf32, #tpu.memory_space<vmem>>, %arg2: memref<1x1024x256xf32, #tpu.memory_space<vmem>>, %arg3: memref<1x1025x1025xf32, #tpu.memory_space<vmem>>, %arg4: memref<1025x1025xf32, #tpu.memory_space<vmem>>) attributes {dimension_semantics = [#tpu.dimension_semantics<arbitrary>], iteration_bounds = array<i64: 4>, scalar_prefetch = 0 : i64, scratch_operands = 1 : i64, tpu.core_type = #tpu.core_type<tc>, window_params = [{transform_indices = @transform_0, window_bounds = array<i64: 1, 1024, 256>}, {transform_indices = @transform_1, window_bounds = array<i64: 1, 1024, 256>}, {transform_indices = @transform_2, window_bounds = array<i64: 1, 1025, 1025>}]} {
    %get3A = arith.constant 0 : index
    %get3A_0 = arith.constant 0 : index
    %get3A_1 = arith.constant 0 : index
    %get3A_2 = vector.load %arg1[%get3A, %get3A_0, %get3A_1] : memref<1x1024x256xf32, #tpu.memory_space<vmem>>, vector<1x1024x256xf32>
    %get3A_3 = vector.shape_cast %get3A_2 : vector<1x1024x256xf32> to vector<1024x256xf32>
    %get3A_4 = arith.constant 0 : index
    %get3A_5 = arith.constant 0 : index
    %get3A_6 = arith.constant 0 : index
    %get3A_7 = vector.load %arg2[%get3A_4, %get3A_5, %get3A_6] : memref<1x1024x256xf32, #tpu.memory_space<vmem>>, vector<1x1024x256xf32>
    %get3A_8 = vector.shape_cast %get3A_7 : vector<1x1024x256xf32> to vector<1024x256xf32>
    %mul3A = arith.mulf %get3A_3, %get3A_3 : vector<1024x256xf32>
    %reduce_sum3A = arith.constant dense<0.000000e+00> : vector<1024xf32>
    %reduce_sum3A_9 = vector.multi_reduction <add>, %mul3A, %reduce_sum3A [1] : vector<1024x256xf32> to vector<1024xf32>
    %broadcast_in_dim3A = vector.shape_cast %reduce_sum3A_9 : vector<1024xf32> to vector<1024x1xf32>
    %mul3A_10 = arith.mulf %get3A_8, %get3A_8 : vector<1024x256xf32>
    %reduce_sum3A_11 = arith.constant dense<0.000000e+00> : vector<1024xf32>
    %reduce_sum3A_12 = vector.multi_reduction <add>, %mul3A_10, %reduce_sum3A_11 [1] : vector<1024x256xf32> to vector<1024xf32>
    %broadcast_in_dim3A_13 = vector.shape_cast %reduce_sum3A_12 : vector<1024xf32> to vector<1024x1xf32>
    %add3A = arith.constant 9.99999996E-13 : f32
    %add3A_14 = vector.broadcast %add3A : f32 to vector<1024x1xf32>
    %add3A_15 = arith.addf %broadcast_in_dim3A, %add3A_14 : vector<1024x1xf32>
    %sqrt3A = math.sqrt %add3A_15 : vector<1024x1xf32>
    %div3A = vector.broadcast %sqrt3A : vector<1024x1xf32> to vector<1024x256xf32>
    %div3A_16 = arith.divf %get3A_3, %div3A : vector<1024x256xf32>
    %add3A_17 = arith.constant 9.99999996E-13 : f32
    %add3A_18 = vector.broadcast %add3A_17 : f32 to vector<1024x1xf32>
    %add3A_19 = arith.addf %broadcast_in_dim3A_13, %add3A_18 : vector<1024x1xf32>
    %sqrt3A_20 = math.sqrt %add3A_19 : vector<1024x1xf32>
    %div3A_21 = vector.broadcast %sqrt3A_20 : vector<1024x1xf32> to vector<1024x256xf32>
    %div3A_22 = arith.divf %get3A_8, %div3A_21 : vector<1024x256xf32>
    %dot_general3A = arith.constant dense<0.000000e+00> : vector<1024x1024xf32>
    %dot_general3A_23 = tpu.matmul %div3A_16, %div3A_22, %dot_general3A {dimension_numbers = #tpu.dot_dimension_numbers<[1], [1], [0], [0], [0, 0, 1, 0], [], []>, transpose_lhs_hint = false} : vector<1024x256xf32>, vector<1024x256xf32>, vector<1024x1024xf32> -> vector<1024x1024xf32>
    %mul3A_24 = arith.mulf %div3A_16, %div3A_16 : vector<1024x256xf32>
    %reduce_sum3A_25 = arith.constant dense<0.000000e+00> : vector<1024xf32>
    %reduce_sum3A_26 = vector.multi_reduction <add>, %mul3A_24, %reduce_sum3A_25 [1] : vector<1024x256xf32> to vector<1024xf32>
    %broadcast_in_dim3A_27 = vector.shape_cast %reduce_sum3A_26 : vector<1024xf32> to vector<1024x1xf32>
    %mul3A_28 = arith.mulf %div3A_22, %div3A_22 : vector<1024x256xf32>
    %reduce_sum3A_29 = arith.constant dense<0.000000e+00> : vector<1024xf32>
    %reduce_sum3A_30 = vector.multi_reduction <add>, %mul3A_28, %reduce_sum3A_29 [1] : vector<1024x256xf32> to vector<1024xf32>
    %broadcast_in_dim3A_31 = vector.shape_cast %reduce_sum3A_30 : vector<1024xf32> to vector<1024x1xf32>
    %transpose3A = tpu.transpose %broadcast_in_dim3A_31, [1, 0] : vector<1024x1xf32> -> vector<1x1024xf32>
    %add3A_32 = vector.broadcast %broadcast_in_dim3A_27 : vector<1024x1xf32> to vector<1024x1024xf32>
    %add3A_33 = vector.broadcast %transpose3A : vector<1x1024xf32> to vector<1024x1024xf32>
    %add3A_34 = arith.addf %add3A_32, %add3A_33 : vector<1024x1024xf32>
    %mul3A_35 = arith.constant 2.000000e+00 : f32
    %mul3A_36 = vector.broadcast %mul3A_35 : f32 to vector<1024x1024xf32>
    %mul3A_37 = arith.mulf %mul3A_36, %dot_general3A_23 : vector<1024x1024xf32>
    %sub3A = arith.subf %add3A_34, %mul3A_37 : vector<1024x1024xf32>
    %max3A = arith.constant 9.99999996E-13 : f32
    %max3A_38 = vector.broadcast %max3A : f32 to vector<1024x1024xf32>
    %max3A_39 = arith.maximumf %sub3A, %max3A_38 : vector<1024x1024xf32>
    %sqrt3A_40 = math.sqrt %max3A_39 : vector<1024x1024xf32>
    %broadcast_in_dim3A_41 = arith.constant 1.000000e+00 : f32
    %broadcast_in_dim3A_42 = vector.broadcast %broadcast_in_dim3A_41 : f32 to vector<1025x1025xf32>
    %swap3A = arith.constant 0 : index
    %swap3A_43 = arith.constant 0 : index
    %swap3A_44 = vector.load %arg4[%swap3A, %swap3A_43] : memref<1025x1025xf32, #tpu.memory_space<vmem>>, vector<1025x1025xf32>
    tpu.vector_store %arg4[%swap3A, %swap3A_43], %broadcast_in_dim3A_42 {strides = array<i32>} : memref<1025x1025xf32, #tpu.memory_space<vmem>>, vector<1025x1025xf32>,
    %neg3A = arith.constant 0.000000e+00 : f32
    %neg3A_45 = vector.broadcast %neg3A : f32 to vector<1024x1024xf32>
    %neg3A_46 = arith.subf %neg3A_45, %sqrt3A_40 : vector<1024x1024xf32>
    %div3A_47 = arith.constant 1.000000e+00 : f32
    %div3A_48 = vector.broadcast %div3A_47 : f32 to vector<1024x1024xf32>
    %div3A_49 = arith.divf %neg3A_46, %div3A_48 : vector<1024x1024xf32>
    %swap3A_50 = arith.constant 0 : index
    %swap3A_51 = arith.constant 0 : index
    %swap3A_52 = vector.load %arg4[%swap3A_50, %swap3A_51] : memref<1025x1025xf32, #tpu.memory_space<vmem>>, vector<1024x1024xf32>
    tpu.vector_store %arg4[%swap3A_50, %swap3A_51], %div3A_49 {strides = array<i32>} : memref<1025x1025xf32, #tpu.memory_space<vmem>>, vector<1024x1024xf32>,
    %get3A_53 = arith.constant 0 : index
    %get3A_54 = arith.constant 0 : index
    %get3A_55 = vector.load %arg4[%get3A_53, %get3A_54] : memref<1025x1025xf32, #tpu.memory_space<vmem>>, vector<1025x1025xf32>
    %exp3A = math.exp %get3A_55 : vector<1025x1025xf32>
    %swap3A_56 = arith.constant 0 : index
    %swap3A_57 = arith.constant 0 : index
    %swap3A_58 = vector.load %arg4[%swap3A_56, %swap3A_57] : memref<1025x1025xf32, #tpu.memory_space<vmem>>, vector<1025x1025xf32>
    tpu.vector_store %arg4[%swap3A_56, %swap3A_57], %exp3A {strides = array<i32>} : memref<1025x1025xf32, #tpu.memory_space<vmem>>, vector<1025x1025xf32>,
    %get3A_59 = arith.constant 0 : index
    %get3A_60 = arith.constant 0 : index
    %get3A_61 = vector.load %arg4[%get3A_59, %get3A_60] : memref<1025x1025xf32, #tpu.memory_space<vmem>>, vector<1025x1025xf32>
    %broadcast_in_dim3A_62 = arith.constant 0.000000e+00 : f32
    %broadcast_in_dim3A_63 = vector.broadcast %broadcast_in_dim3A_62 : f32 to vector<1025x1xf32>
    %broadcast_in_dim3A_64 = arith.constant 0.000000e+00 : f32
    %broadcast_in_dim3A_65 = vector.broadcast %broadcast_in_dim3A_64 : f32 to vector<1x1025xf32>
    %scan3A = arith.constant 0 : i32
    %scan3A_66 = arith.constant 20 : i32
    %scan3A_67 = arith.addi %scan3A, %scan3A_66 : i32
    %scan3A_68 = arith.constant 1 : i32
    %scan3A_69:2 = scf.for %scan3A_82 = %scan3A to %scan3A_67 step %scan3A_68 iter_args(%scan3A_83 = %broadcast_in_dim3A_63, %scan3A_84 = %broadcast_in_dim3A_65) -> (vector<1025x1xf32>, vector<1x1025xf32>)  : i32 {
      %exp3A_85 = math.exp %scan3A_84 : vector<1x1025xf32>
      %mul3A_86 = vector.broadcast %exp3A_85 : vector<1x1025xf32> to vector<1025x1025xf32>
      %mul3A_87 = arith.mulf %get3A_61, %mul3A_86 : vector<1025x1025xf32>
      %reduce_sum3A_88 = arith.constant dense<0.000000e+00> : vector<1025xf32>
      %reduce_sum3A_89 = vector.multi_reduction <add>, %mul3A_87, %reduce_sum3A_88 [1] : vector<1025x1025xf32> to vector<1025xf32>
      %broadcast_in_dim3A_90 = vector.shape_cast %reduce_sum3A_89 : vector<1025xf32> to vector<1025x1xf32>
      %log3A = math.log %broadcast_in_dim3A_90 : vector<1025x1xf32>
      %sub3A_91 = arith.constant -6.93244791 : f32
      %sub3A_92 = vector.broadcast %sub3A_91 : f32 to vector<1025x1xf32>
      %sub3A_93 = arith.subf %sub3A_92, %log3A : vector<1025x1xf32>
      %exp3A_94 = math.exp %sub3A_93 : vector<1025x1xf32>
      %mul3A_95 = vector.broadcast %exp3A_94 : vector<1025x1xf32> to vector<1025x1025xf32>
      %mul3A_96 = arith.mulf %get3A_61, %mul3A_95 : vector<1025x1025xf32>
      %reduce_sum3A_97 = arith.constant dense<0.000000e+00> : vector<1025xf32>
      %reduce_sum3A_98 = vector.multi_reduction <add>, %mul3A_96, %reduce_sum3A_97 [0] : vector<1025x1025xf32> to vector<1025xf32>
      %broadcast_in_dim3A_99 = vector.shape_cast %reduce_sum3A_98 : vector<1025xf32> to vector<1x1025xf32>
      %log3A_100 = math.log %broadcast_in_dim3A_99 : vector<1x1025xf32>
      %sub3A_101 = arith.constant -6.93244791 : f32
      %sub3A_102 = vector.broadcast %sub3A_101 : f32 to vector<1x1025xf32>
      %sub3A_103 = arith.subf %sub3A_102, %log3A_100 : vector<1x1025xf32>
      scf.yield %sub3A_93, %sub3A_103 : vector<1025x1xf32>, vector<1x1025xf32>
    }
    %exp3A_70 = math.exp %scan3A_69#0 : vector<1025x1xf32>
    %exp3A_71 = math.exp %scan3A_69#1 : vector<1x1025xf32>
    %mul3A_72 = vector.broadcast %exp3A_70 : vector<1025x1xf32> to vector<1025x1025xf32>
    %mul3A_73 = vector.broadcast %exp3A_71 : vector<1x1025xf32> to vector<1025x1025xf32>
    %mul3A_74 = arith.mulf %mul3A_72, %mul3A_73 : vector<1025x1025xf32>
    %mul3A_75 = arith.mulf %get3A_61, %mul3A_74 : vector<1025x1025xf32>
    %swap3A_76 = arith.constant 0 : index
    %swap3A_77 = arith.constant 0 : index
    %swap3A_78 = arith.constant 0 : index
    %swap3A_79 = vector.load %arg3[%swap3A_76, %swap3A_77, %swap3A_78] : memref<1x1025x1025xf32, #tpu.memory_space<vmem>>, vector<1x1025x1025xf32>
    %swap3A_80 = vector.shape_cast %swap3A_79 : vector<1x1025x1025xf32> to vector<1025x1025xf32>
    %swap3A_81 = vector.shape_cast %mul3A_75 : vector<1025x1025xf32> to vector<1x1025x1025xf32>
    tpu.vector_store %arg3[%swap3A_76, %swap3A_77, %swap3A_78], %swap3A_81 {strides = array<i32>} : memref<1x1025x1025xf32, #tpu.memory_space<vmem>>, vector<1x1025x1025xf32>,
    return
  }
  func.func @transform_0(%arg0: i32) -> (i32, i32, i32) {
    %c0_i32 = arith.constant 0 : i32
    %c0_i32_0 = arith.constant 0 : i32
    %c0_i32_1 = arith.constant 0 : i32
    return %arg0, %c0_i32, %c0_i32_0 : i32, i32, i32
  }
  func.func @transform_1(%arg0: i32) -> (i32, i32, i32) {
    %c0_i32 = arith.constant 0 : i32
    %c0_i32_0 = arith.constant 0 : i32
    %c0_i32_1 = arith.constant 0 : i32
    return %arg0, %c0_i32, %c0_i32_0 : i32, i32, i32
  }
  func.func @transform_2(%arg0: i32) -> (i32, i32, i32) {
    %c0_i32 = arith.constant 0 : i32
    %c0_i32_0 = arith.constant 0 : i32
    %c0_i32_1 = arith.constant 0 : i32
    return %arg0, %c0_i32, %c0_i32_0 : i32, i32, i32
  }
}

</mosaic_0001>

<sc_bundles>
// kernel: kernel.4.cloned.1.call-start
scs
__scs_entry_jumppad:
0x0: {  	(pc) =	sbr.rel $0x88, $3  }
0x1: {  	(tag) =	ssettag $0x0;
	lr =	simm.s32 $0x1  }
0x2: {  	[smem:$0x3F9F] =	sst lr;
	_ =	strace $0xD0000000  }
0x3: {  	_ = 	snop  }
0x4: {  	_ = 	snop  }
0x5: {  	_ = 	snop  }
0x6: {  	_ = 	snop  }
0x7: {  	_ = 	snop  }
__scs_overlays_trampoline_lowered:
0x8: {  	[smem:$0x3FAE] =	sst s0  }
0x9: {  	[smem:$0x3FAF] =	sst s1  }
0xa: {  	[smem:$0x3FB0] =	sst s2  }
0xb: {  	[smem:$0x3FB1] =	sst s3  }
0xc: {  	[smem:$0x3FB2] =	sst s4  }
0xd: {  	[smem:$0x3FB3] =	sst s5  }
0xe: {  	[smem:$0x3FB4] =	sst s6  }
0xf: {  	[smem:$0x3FB5] =	sst s7  }
0x10: {  	[smem:$0x3FB6] =	sst s8  }
0x11: {  	[smem:$0x3FB7] =	sst s9;
	s0 =	simm.s32 @!p0 $0x0  }
0x12: {  	s1 =	sld [smem:$0x3F9D];
	s0 =	simm.s32 @p0 $0x1  }
0x13: {  	[smem:$0x3FB8] =	sst s0;
	s0 =	simm.s32 @!p1 $0x0  }
0x14: {  	s2 =	sld [smem:$0x3F9C];
	s0 =	simm.s32 @p1 $0x1  }
0x15: {  	[smem:$0x3FB9] =	sst s0;
	s0 =	simm.s32 @!p2 $0x0  }
0x16: {  	s3 =	sld [smem:$0x3FDB];
	s0 =	simm.s32 @p2 $0x1  }
0x17: {  	s4 =	simm.s32 $0x1BF5;
	[smem:$0x3FBB] =	sst s0  }
0x18: {  	s0 =	sld [smem:$0x3F9E];
	_ =	swait.ge [sflag:s4], $0x0  }
0x19: {  	s7 =	sld [smem:$0x3F9F]  }
0x1a: {  	s8 =	sadd.s32 $0xFFFFE003, lr  }
0x1b: {  	s9 =	sadd.s32 $0xFFFFFEF7, lr;
	s5 =	simm.s32 $0xFFFFFFFF;
	p2 =	slt.u32 s8, $0xFFFFF086  }
0x1c: {  	p1 =	slt.u32 s9, $0xF7A;
	s5 =	simm.s32 @!p2 $0x0  }
0x1d: {  	s5 =	simm.s32 @p1 $0x1;
	p0 =	seq.s32 s7, s2  }
0x1e: {  	s7 =	smul.u32 @!p0 $0xF7A, s2;
	p2 =	seq.s32 @!p0 s5, $0x0  }
0x1f: {  	s9 =	smul.u32 $0xF7A, s1;
	s8 =	simm.s32 @!p0 $0x1BF5;
	p2 =	por !p2, p0  }
0x20: {  	[sflag:s8] =	ssyncset.s32 @!p0 $0xFFFFF086;
	s6 =	sadd.s32 @!p0 s3, s7;
	s7 =	simm.s32 @!p0 $0x108  }
0x21: {  	s3 =	sadd.s32 s3, s9;
	s6 =	sadd.s32 @!p0 $0x88, s6;
	s7 =	simm.s32 @p2 $0x1082  }
0x22: {  	[simem:s7], [sflag:s8] =	dma.local @!p0 [hbm:s6], $0xF7A  }
0x23: {  	s9 =	sor.u32 $0xD0000000, s2;
	s6 =	simm.s32 $0x108;
	_ =	swait.ge @!p0 [sflag:s8], $0x0  }
0x24: {  	s3 =	sadd.s32 $0x88, s3;
	s6 =	simm.s32 @!p1 $0x1082;
	[sflag:s4] =	ssyncset.s32 $0xFFFFF086  }
0x25: {  	[simem:s6], [sflag:s4] =	dma.local [hbm:s3], $0xF7A  }
0x26: {  	[smem:$0x3F9F] =	sst s1;
	(tag) =	ssettag s2;
	_ =	strace s9  }
0x27: {  	s1 =	sld [smem:$0x3FAF]  }
0x28: {  	s2 =	sld [smem:$0x3FB0]  }
0x29: {  	s4 =	sld [smem:$0x3FB2]  }
0x2a: {  	p0 =	seq.s32 s5, $0x0;
	s5 =	sld [smem:$0x3FB3]  }
0x2b: {  	s6 =	sld [smem:$0x3FB4]  }
0x2c: {  	s7 =	sld [smem:$0x3FB5]  }
0x2d: {  	s3 =	simm.s32 $0x108;
	s8 =	sld [smem:$0x3FB6]  }
0x2e: {  	s3 =	simm.s32 @!p0 $0x1082;
	s9 =	sld [smem:$0x3FB7]  }
0x2f: {  	lr =	sadd.s32 s0, s3;
	s0 =	sld [smem:$0x3FAE]  }
0x30: {  	s3 =	sld [smem:$0x3FB1]  }
0x31: {  	[smem:$0x3FBA] =	sst s10  }
0x32: {  	s10 =	sld [smem:$0x3FB8];
	_ =	sdelay $0x3  }
0x33: {  	p0 =	seq.s32 s10, $0x1;
	s10 =	sld [smem:$0x3FBA];
	_ =	sdelay $0x3  }
0x34: {  	[smem:$0x3FBA] =	sst s10  }
0x35: {  	s10 =	sld [smem:$0x3FB9];
	_ =	sdelay $0x3  }
0x36: {  	p1 =	seq.s32 s10, $0x1;
	s10 =	sld [smem:$0x3FBA];
	_ =	sdelay $0x3  }
0x37: {  	[smem:$0x3FBA] =	sst s10  }
0x38: {  	s10 =	sld [smem:$0x3FBB]  }
0x39: {  	_ = 	snop;
	(pc) =	sbr.ind lr, $3  }
0x3a: {  	_ = 	snop  }
0x3b: {  	_ = 	snop  }
0x3c: {  	p2 =	seq.s32 s10, $0x1;
	s10 =	sld [smem:$0x3FBA]  }
0x3d: {  	_ =	shalt  }
0x3e: {  	_ =	shalt  }
0x3f: {  	_ =	shalt  }
0x40: {  	_ =	shalt  }
0x41: {  	_ =	shalt  }
0x42: {  	_ =	shalt  }
0x43: {  	_ =	shalt  }
0x44: {  	_ =	shalt  }
0x45: {  	_ =	shalt  }
0x46: {  	_ =	shalt  }
0x47: {  	_ =	shalt  }
0x48: {  	_ =	shalt  }
0x49: {  	_ =	shalt  }
0x4a: {  	_ =	shalt  }
0x4b: {  	_ =	shalt  }
0x4c: {  	_ =	shalt  }
0x4d: {  	_ =	shalt  }
0x4e: {  	_ =	shalt  }
0x4f: {  	_ =	shalt  }
0x50: {  	_ =	shalt  }
0x51: {  	_ =	shalt  }
0x52: {  	_ =	shalt  }
0x53: {  	_ =	shalt  }
0x54: {  	_ =	shalt  }
0x55: {  	_ =	shalt  }
0x56: {  	_ =	shalt  }
0x57: {  	_ =	shalt  }
0x58: {  	_ =	shalt  }
0x59: {  	_ =	shalt  }
0x5a: {  	_ =	shalt  }
0x5b: {  	_ =	shalt  }
0x5c: {  	_ =	shalt  }
0x5d: {  	_ =	shalt  }
0x5e: {  	_ =	shalt  }
0x5f: {  	_ =	shalt  }
0x60: {  	_ =	shalt  }
0x61: {  	_ =	shalt  }
0x62: {  	_ =	shalt  }
0x63: {  	_ =	shalt  }
0x64: {  	_ =	shalt  }
0x65: {  	_ =	shalt  }
0x66: {  	_ =	shalt  }
0x67: {  	_ =	shalt  }
0x68: {  	_ =	shalt  }
0x69: {  	_ =	shalt  }
0x6a: {  	_ =	shalt  }
0x6b: {  	_ =	shalt  }
0x6c: {  	_ =	shalt  }
0x6d: {  	_ =	shalt  }
0x6e: {  	_ =	shalt  }
0x6f: {  	_ =	shalt  }
0x70: {  	_ =	shalt  }
0x71: {  	_ =	shalt  }
0x72: {  	_ =	shalt  }
0x73: {  	_ =	shalt  }
0x74: {  	_ =	shalt  }
0x75: {  	_ =	shalt  }
0x76: {  	_ =	shalt  }
0x77: {  	_ =	shalt  }
0x78: {  	_ =	shalt  }
0x79: {  	_ =	shalt  }
0x7a: {  	_ =	shalt  }
0x7b: {  	_ =	shalt  }
0x7c: {  	_ =	shalt  }
0x7d: {  	_ =	shalt  }
0x7e: {  	_ =	shalt  }
0x7f: {  	_ =	shalt  }
0x80: {  	_ =	shalt  }
0x81: {  	_ =	shalt  }
0x82: {  	_ =	shalt  }
0x83: {  	_ =	shalt  }
0x84: {  	_ =	shalt  }
0x85: {  	_ =	shalt  }
0x86: {  	_ =	shalt  }
0x87: {  	_ =	shalt  }
.Lfunc_end0:
.L_simem_size_0:
called_computation_lowered:
.L_overlay_start_0:
0x88: {  	s2 =	sld [smem:$0x3FD9]  }
0x89: {  	s3 =	sld [smem:$0x3FFE];
	_ =	sdelay $0x1  }
0x8a: {  	s1 =	srdreg.scid  }
0x8b: {  	s0 =	sand.u32 $0x1, s1  }
0x8c: {  	s14 =	sshll.u32 s0, $0xA;
	s2 =	sadd.s32 s3, s2  }
0x8d: {  	s2 =	sadd.s32 s2, s14  }
0x8e: {  	[smem:$0x3FC6] =	sst s2  }
0x8f: {  	_ = 	snop  }
0x90: {  	s2 =	sld [smem:$0x3FD0];
	_ =	sdelay $0x2  }
0x91: {  	s15 =	simm.s32 $0xA;
	s4 =	simm.s32 $0x10  }
0x92: {  	[smem:s4], [sflag:s15] =	dma.local [hbm:s2], $0x1  }
0x93: {  	_ =	swait.eq [sflag:s15], $0x1  }
0x94: {  	[sflag:s15] =	ssyncset.done $0x0  }
0x95: {  	[sflag:s15] =	ssyncadd.s32 $0xFFFFFFFF  }
0x96: {  	s16 =	sld [smem:$0x12];
	(tm) =	ssettm $0x1  }
0x97: {  	s17 =	sld [smem:$0x3FFB];
	_ =	sdelay $0x3  }
0x98: {  	_ =	strace s17  }
0x99: {  	s3 =	sld [smem:$0x3FFC];
	_ =	sdelay $0x3  }
0x9a: {  	_ =	strace s3  }
0x9b: {  	s3 =	sld [smem:$0x3FFD];
	_ =	sdelay $0x3  }
0x9c: {  	_ =	strace s3  }
0x9d: {  	_ =	strace $0x8FFFFFFF  }
0x9e: {  	s18 =	sld [smem:$0x3FDB];
	_ =	sdelay $0x1  }
0x9f: {  	s19 =	simm.s32 $_scs_section_size  }
0xa0: {  	s5 =	simm.s32 $_size__tile_overlayer_lowered;
	s6 =	simm.s32 $_tile_overlayer_lowered  }
0xa1: {  	s22 =	simm.s32 $0x1BFF;
	s21 =	sshll.u32 s6, $0x1;
	s3 =	sadd.s32 s19, s18  }
0xa2: {  	s7 =	simm.s32 $0x0;
	s20 =	sshll.u32 s5, $0x1;
	s5 =	sadd.s32 s21, s3  }
0xa3: {  	[timem:s7], [sflag:s22] =	dma.local [hbm:s5], s20  }
0xa4: {  	_ =	swait.ge [sflag:s22], s20  }
0xa5: {  	s4 =	ssub.s32 $0x0, s20;
	[sflag:s22] =	ssyncset.done $0x0  }
0xa6: {  	[sflag:s22] =	ssyncadd.s32 s4;
	_ =	sdelay $0x1  }
0xa7: {  	s23 =	simm.s32 $0x1B8B  }
0xa8: {  	_ =	swait.ge [sflag:s23], $0x1  }
0xa9: {  	[sflag:s23] =	ssyncset.done $0x0  }
0xaa: {  	s25 =	simm.s32 $0x1B8E;
	s24 =	sld [smem:$0x3FFE];
	[sflag:s23] =	ssyncadd.s32 $0xFFFFFFFF  }
0xab: {  	s26 =	simm.s32 $execute0_lowered;
	[smem:$0x3FD2] =	sst s25  }
0xac: {  	s5 =	sshll.u32 s26, $0x1;
	_ =	strace $0x80000046;
	[dreg:$0x1] =	wrdreg $0xFFFFFFFF  }
0xad: {  	s28 =	simm.s32 $_size_execute0_lowered;
	s3 =	sadd.s32 s3, s5;
	[dreg:$0x0] =	wrdreg $0x0  }
0xae: {  	s5 =	sshll.u32 s28, $0x1;
	[dreg:$0x2] =	wrdreg s3  }
0xaf: {  	[dreg:$0x3] =	wrdreg s5  }
0xb0: {  	[dreg:$0x4] =	wrdreg $0xC0  }
0xb1: {  	_ =	task [dreg:s7], $0x5FFFF  }
0xb2: {  	[dreg:$0x1] =	wrdreg $0xFFFFFFFF  }
0xb3: {  	[dreg:$0x0] =	wrdreg $0x60  }
0xb4: {  	[dreg:$0x2] =	wrdreg s16  }
0xb5: {  	[dreg:$0x3] =	wrdreg s24  }
0xb6: {  	[dreg:$0x4] =	wrdreg $0x9  }
0xb7: {  	_ =	task.clear_ibuf [dreg:s7], $0x5FFFF;
	_ =	strace $0x90000046  }
0xb8: {  	s29 =	simm.s32 $0x9;
	_ =	strace $0x80000048  }
0xb9: {  	_ =	swait.ge [sflag:s29], $0x1  }
0xba: {  	[sflag:s29] =	ssyncadd.s32 $0xFFFFFFFF  }
0xbb: {  	_ =	strace $0x90000048  }
0xbc: {  	_ =	sfence  }
0xbd: {  	s30 =	sld [smem:$0x0];
	_ =	sdelay $0x2  }
0xbe: {  	s31 =	sshll.u32 s1, $0xD;
	s1 =	sshrl.u32 s1, $0x2  }
0xbf: {  	s3 =	sand.u32 $0x4000, s31;
	s1 =	sadd.s32 s1, s30  }
0xc0: {  	s0 =	sor.u32 s3, s0;
	s1 =	sshll.u32 s1, $0x11  }
0xc1: {  	s0 =	sor.u32 s1, s0  }
0xc2: {  	s0 =	sadd.s32 $0x8F2B, s0  }
0xc3: {  	[sflag:s0] =	ssyncadd.remote.s32 $0x1  }
0xc4: {  	_ =	sfence.sel $0xFFFF  }
0xc5: {  	[dreg:$0x0] =	wrdreg $0xFFFFFFFF;
	(pc) =	sbr.abs _section_cstart, $3  }
0xc6: {  	[dreg:$0x1] =	wrdreg $0xFFFFFFFF  }
0xc7: {  	_ =	task.clear_ibuf [dreg:s7], $0x2FFFF;
	_ =	strace $0x9FFFFFFF  }
0xc8: {  	(tm) =	ssettm $0x7FFFFFFF  }
0xc9: {  	_ =	shalt  }
tec
execute0_lowered:
.L_overlay_start_1:
0x0: {  	(tag) =	ssettag $0x1  }
0x1: {  	s2 =	rddreg [dreg:$0x0]  }
0x2: {  	s0 =	srdreg.scid;
	s7 =	rddreg [dreg:$0x1];
	s6 =	simm.s32 $0x1  }
0x3: {  	s3 =	simm.s32 $0x0;
	s14 =	simm.s32 $0x2900;
	s15 =	simm.s32 $0x2500  }
0x4: {  	s16 =	simm.s32 $0x2600;
	s18 =	simm.s32 $0x400;
	s19 =	simm.s32 $0xC00  }
0x5: {  	s20 =	simm.s32 $0x100;
	s21 =	simm.s32 $0x1400;
	s22 =	simm.s32 $0x180  }
0x6: {  	s23 =	simm.s32 $0x1C00;
	s24 =	simm.s32 $0x2400;
	s5 =	sand.u32 $0x1, s0  }
0x7: {  	s25 =	simm.s32 $0x0;
	s0 =	stileid.u32;
	s1 =	sshll.u32 s5, $0x4  }
0x8: {  	v0 =	vlaneseq.u32;
	[smem:$0x7FF] =	sst s3;
	s11 =	sand.u32 $0x3, s0;
	s4 =	sor.u32 s0, s1  }
0x9: {  	v4 =	vmul.u32 $0x10, v0;
	s9 =	ssub.s32 $0x2, s5;
	p1 =	sne.s32 s11, $0x0;
	p0 =	seq.s32 s4, $0x0  }
0xa: {  	s5 =	sadd.s32 $0x800, s7;
	s1 =	rddreg [dreg:$0x2];
	p0 =	por !p1, !p0  }
0xb: {  	_ =	strace $0x80000047;
	s8 =	sshll.u32 s11, $0x8;
	v5 =	vor.u32 $0x100, v4;
	[tilespmem:$0x1FF80] =	vst v4;
	p0 =	por !p0, !p0  }
0xc: {  	s31 =	sshrl.u32 s9, $0x1;
	v6 =	vor.u32 $0x200, v4;
	s4 =	sshrl.u32 s4, $0x2;
	[tilespmem:$0x1FF90] =	vst v5;
	s6 =	simm.s32 @!p0 $0x0  }
0xd: {  	s11 =	sshll.u32 s11, $0xD;
	v7 =	vor.u32 $0x300, v4;
	s13 =	ssub.s32 s9, s31;
	[tilespmem:$0x1FFA0] =	vst v6;
	s12 =	ssub.s32 s4, s6  }
0xe: {  	v8 =	vor.u32 $0x400, v4;
	[tilespmem:$0x1FFB0] =	vst v7;
	s4 =	sadd.s32 $0xA00, s7;
	s6 =	sshll.u32 s12, $0xA;
	s17 =	sshll.u32 s12, $0xE  }
0xf: {  	v9 =	vor.u32 $0x500, v4;
	[tilespmem:$0x1FFC0] =	vst v8;
	s12 =	sshll.u32 s12, $0xF;
	s6 =	sor.u32 s8, s6;
	s8 =	simm.s32 $0x1  }
0x10: {  	v10 =	vor.u32 $0x600, v4;
	[tilespmem:$0x1FFD0] =	vst v9;
	s11 =	sor.u32 s11, s12;
	s12 =	simm.s32 $0x2700;
	s10 =	sshrl.u32 s6, $0x3  }
0x11: {  	v11 =	vor.u32 $0x700, v4;
	[tilespmem:$0x1FFE0] =	vst v10;
	v56 =	vmov s17;
	s17 =	simm.s32 $0x80;
	s6 =	sadd.s32 $0xC00, s7;
	s7 =	sadd.s32 s7, s10  }
0x12: {  	[tilespmem:$0x1FFF0] =	vst v11;
	s10 =	smax.u32 s13, $0x1;
	s13 =	simm.s32 $0x2;
	s9 =	sadd.s32 $0x400, s7  }
.LBB2_1:
0x13: {  	[tilespmem:s12], [sflag:$0x2] =	stream.linear.gather [hbm4b:s4+s3], $0x200, $0x38;
	[tilespmem:$0x2B00] =	vst v63  }
0x14: {  	_ =	swait.ge [sflag:s13], $0x200  }
0x15: {  	[sflag:s13] =	ssyncset.done $0x0  }
0x16: {  	[sflag:s13] =	ssyncadd.s32 $0xFFFFFE00  }
0x17: {  	[tilespmem:s14], [sflag:$0x2] =	stream.linear.gather [hbm4b:s5+s3], $0x200, $0x38;
	[tilespmem:$0x2B00] =	vst v63  }
0x18: {  	_ =	swait.ge [sflag:s13], $0x200  }
0x19: {  	[sflag:s13] =	ssyncset.done $0x0  }
0x1a: {  	[sflag:s13] =	ssyncadd.s32 $0xFFFFFE00  }
0x1b: {  	[tilespmem:s15], [sflag:$0x2] =	stream.linear.gather [hbm4b:s9+s3], $0x100, $0x38;
	[tilespmem:$0x2B00] =	vst v63  }
0x1c: {  	_ =	swait.ge [sflag:s13], $0x100  }
0x1d: {  	[sflag:s13] =	ssyncset.done $0x0  }
0x1e: {  	[sflag:s13] =	ssyncadd.s32 $0xFFFFFF00  }
0x1f: {  	[tilespmem:s16], [sflag:$0x2] =	stream.linear.gather [hbm4b:s7+s3], $0x100, $0x38;
	[tilespmem:$0x2B00] =	vst v63  }
0x20: {  	_ =	swait.ge [sflag:s13], $0x100  }
0x21: {  	[sflag:s13] =	ssyncset.done $0x0  }
0x22: {  	s26 =	smov.u32 s11;
	s28 =	simm.s32 $0x0;
	[sflag:s13] =	ssyncadd.s32 $0xFFFFFF00  }
.LBB2_2:
0x23: {  	v63 =	vld [tilespmem:$0x2700]  }
0x24: {  	v9 =	vld [tilespmem:$0x2900]  }
0x25: {  	v10 =	vld [tilespmem:$0x2710]  }
0x26: {  	v11 =	vld [tilespmem:$0x2910]  }
0x27: {  	v12 =	vld [tilespmem:$0x2720]  }
0x28: {  	v13 =	vld [tilespmem:$0x2920]  }
0x29: {  	v14 =	vld [tilespmem:$0x2730]  }
0x2a: {  	v17 =	vld [tilespmem:$0x2930]  }
0x2b: {  	v18 =	vld [tilespmem:$0x2740]  }
0x2c: {  	v19 =	vld [tilespmem:$0x2940]  }
0x2d: {  	v20 =	vld [tilespmem:$0x2750]  }
0x2e: {  	v21 =	vld [tilespmem:$0x2950]  }
0x2f: {  	v22 =	vld [tilespmem:$0x2760]  }
0x30: {  	v23 =	vld [tilespmem:$0x2960]  }
0x31: {  	v24 =	vld [tilespmem:$0x2770]  }
0x32: {  	v25 =	vld [tilespmem:$0x2970]  }
0x33: {  	v26 =	vld [tilespmem:$0x2780]  }
0x34: {  	v27 =	vld [tilespmem:$0x2980]  }
0x35: {  	v28 =	vld [tilespmem:$0x2790]  }
0x36: {  	v29 =	vld [tilespmem:$0x2990]  }
0x37: {  	v30 =	vld [tilespmem:$0x27A0]  }
0x38: {  	v31 =	vld [tilespmem:$0x29A0]  }
0x39: {  	v0 =	vmov s28;
	v32 =	vld [tilespmem:$0x27B0]  }
0x3a: {  	v33 =	vld [tilespmem:$0x29B0]  }
0x3b: {  	v34 =	vld [tilespmem:$0x27C0]  }
0x3c: {  	v35 =	vld [tilespmem:$0x29C0]  }
0x3d: {  	v36 =	vld [tilespmem:$0x27D0]  }
0x3e: {  	v16 =	vld.idx.msk [tilespmem:v0+s15+$0x0], $0xffff  }
0x3f: {  	v45 =	vld.idx.msk [tilespmem:v0+s16+$0x0], $0xffff  }
0x40: {  	v37 =	vld [tilespmem:$0x29D0]  }
0x41: {  	v38 =	vld [tilespmem:$0x27E0]  }
0x42: {  	v39 =	vld [tilespmem:$0x29E0]  }
0x43: {  	v40 =	vld [tilespmem:$0x27F0];
	v41 =	vadd.f32 v63, v16  }
0x44: {  	v42 =	vld [tilespmem:$0x29F0];
	v55 =	vadd.f32 v9, v45;
	v59 =	vadd.f32 v10, v16  }
0x45: {  	v48 =	vld [tilespmem:$0x2800];
	v3 =	vadd.f32 v11, v45;
	v5 =	vadd.f32 v12, v16  }
0x46: {  	v49 =	vld [tilespmem:$0x2A00];
	v6 =	vadd.f32 v13, v45;
	v8 =	vadd.f32 v14, v16  }
0x47: {  	v50 =	vld [tilespmem:$0x2810];
	v17 =	vadd.f32 v17, v45;
	v9 =	vadd.f32 v18, v16  }
0x48: {  	v53 =	vld [tilespmem:$0x2A10];
	v19 =	vadd.f32 v19, v45;
	v60 =	vadd.f32 v20, v16  }
0x49: {  	v54 =	vld [tilespmem:$0x2820];
	v57 =	vadd.f32 v21, v45;
	v62 =	vadd.f32 v22, v16  }
0x4a: {  	v15 =	vld [tilespmem:$0x2A20];
	v61 =	vadd.f32 v23, v45;
	v11 =	vadd.f32 v24, v16  }
0x4b: {  	v4 =	vld [tilespmem:$0x2830];
	v10 =	vadd.f32 v25, v45;
	v12 =	vadd.f32 v26, v16  }
0x4c: {  	v7 =	vld [tilespmem:$0x2A30];
	v13 =	vadd.f32 v27, v45;
	v14 =	vadd.f32 v28, v16  }
0x4d: {  	v18 =	vld [tilespmem:$0x2840];
	v43 =	vadd.f32 v29, v45;
	v44 =	vadd.f32 v30, v16  }
0x4e: {  	v20 =	vld [tilespmem:$0x2A40];
	v63 =	vadd.f32 v31, v45;
	v58 =	vadd.f32 v32, v16  }
0x4f: {  	v21 =	vld [tilespmem:$0x2850];
	v33 =	vadd.f32 v33, v45;
	v52 =	vadd.f32 v34, v16  }
0x50: {  	v23 =	vld [tilespmem:$0x2A50];
	v51 =	vadd.f32 v35, v45;
	v46 =	vadd.f32 v36, v16  }
0x51: {  	v22 =	vld [tilespmem:$0x2860];
	v47 =	vadd.f32 v37, v45;
	v34 =	vadd.f32 v38, v16  }
0x52: {  	v25 =	vld [tilespmem:$0x2A60];
	v35 =	vadd.f32 v39, v45;
	v42 =	vadd.f32 v42, v45  }
0x53: {  	v24 =	vld [tilespmem:$0x2870];
	v39 =	vadd.f32 v48, v16;
	v37 =	vadd.f32 v50, v16  }
0x54: {  	v27 =	vld [tilespmem:$0x2A70];
	v38 =	vadd.f32 v53, v45;
	v36 =	vadd.f32 v15, v45  }
0x55: {  	v29 =	vld [tilespmem:$0x2880];
	v15 =	vadd.f32 v4, v16;
	v7 =	vadd.f32 v7, v45;
	v1 =	vmax.f32 v41, $0.0e+00  }
0x56: {  	v26 =	vld [tilespmem:$0x2A80];
	v41 =	vadd.f32 v40, v16;
	v2 =	vmax.f32 v55, $0.0e+00;
	v40 =	vadd.f32 v49, v45  }
0x57: {  	v32 =	vld [tilespmem:$0x2890];
	v55 =	vadd.f32 v54, v16;
	v59 =	vmax.f32 v59, $0.0e+00;
	v3 =	vmax.f32 v3, $0.0e+00  }
0x58: {  	v30 =	vld [tilespmem:$0x2A90];
	v19 =	vmax.f32 v19, $0.0e+00;
	v61 =	vmax.f32 v61, $0.0e+00;
	v46 =	vmax.f32 v46, $0.0e+00  }
0x59: {  	v50 =	vld [tilespmem:$0x28C0];
	v7 =	vmax.f32 v7, $0.0e+00;
	v28 =	vmin.f32 v1, $5.110000000e+02;
	v31 =	vmin.f32 v2, $5.110000000e+02  }
0x5a: {  	v48 =	vld [tilespmem:$0x28A0];
	v28 =	vtrunc.f32 v28;
	v1 =	vtrunc.f32 v31;
	v31 =	vadd.f32 v18, v16  }
0x5b: {  	v49 =	vld [tilespmem:$0x28B0];
	v53 =	vcvt.f32.s32 v28;
	v4 =	vadd.f32 v20, v45;
	v28 =	vadd.f32 v21, v16  }
0x5c: {  	v54 =	vld [tilespmem:$0x28D0];
	v3 =	vmin.f32 v3, $5.110000000e+02;
	v21 =	vadd.f32 v22, v16;
	v24 =	vadd.f32 v24, v16  }
0x5d: {  	[tilespmem:$0x1FEE0] =	vst v55;
	v55 =	vld [tilespmem:$0x28E0];
	v0 =	vcvt.f32.s32 v1;
	v22 =	vadd.f32 v29, v16;
	v1 =	vadd.f32 v32, v16  }
0x5e: {  	v7 =	vmin.f32 v7, $5.110000000e+02;
	v20 =	vld [tilespmem:$0x28F0];
	v50 =	vadd.f32 v50, v16;
	v32 =	vadd.f32 v23, v45  }
0x5f: {  	v29 =	vadd.f32 v25, v45;
	v27 =	vadd.f32 v27, v45;
	v2 =	vshll.u32 v53, $0x9;
	v53 =	vld [tilespmem:$0x2AA0]  }
0x60: {  	v7 =	vtrunc.f32 v7;
	v25 =	vadd.f32 v26, v45;
	v23 =	vadd.f32 v30, v45;
	[tilespmem:$0x1FEF0] =	vst v1;
	v1 =	vld [tilespmem:$0x2AB0]  }
0x61: {  	v49 =	vadd.f32 v49, v16;
	[tilespmem:$0x1FF10] =	vst v50;
	v50 =	vmin.f32 v59, $5.110000000e+02;
	v59 =	vld [tilespmem:$0x2AE0];
	v18 =	vadd.s32 v0, v2  }
0x62: {  	v2 =	vshra.s32 v18, $0x4;
	v18 =	vadd.f32 v48, v16;
	v48 =	vld [tilespmem:$0x2AC0];
	v55 =	vadd.f32 v55, v16  }
0x63: {  	v7 =	vcvt.f32.s32 v7;
	v4 =	vmax.f32 v4, $0.0e+00;
	v50 =	vtrunc.f32 v50;
	[tilespmem:$0x1FF00] =	vst v49;
	v49 =	vld [tilespmem:$0x2AD0]  }
0x64: {  	v54 =	vadd.f32 v54, v16;
	v4 =	vmin.f32 v4, $5.110000000e+02;
	v30 =	vcvt.f32.s32 v50;
	[tilespmem:$0x1FF40] =	vst v55;
	v55 =	vld [tilespmem:$0x2AF0]  }
0x65: {  	v50 =	vmax.f32 v5, $0.0e+00;
	v5 =	vmax.f32 v8, $0.0e+00;
	v4 =	vtrunc.f32 v4  }
0x66: {  	v16 =	vadd.f32 v20, v16;
	v4 =	vcvt.f32.s32 v4;
	v18 =	vmax.f32 v18, $0.0e+00  }
0x67: {  	v20 =	vadd.f32 v53, v45;
	v26 =	vadd.f32 v1, v45;
	v1 =	vtrunc.f32 v3  }
0x68: {  	v59 =	vadd.f32 v59, v45;
	v1 =	vcvt.f32.s32 v1;
	v53 =	vadd.f32 v49, v45  }
0x69: {  	[tilespmem:$0x1FF60] =	vst v16;
	v16 =	vadd.f32 v48, v45;
	v49 =	vshll.u32 v30, $0x9;
	v48 =	vadd.f32 v55, v45  }
0x6a: {  	[tilespmem:$0x1FF30] =	vst v53;
	v45 =	vand.u32 $0xF, v0;
	v0 =	vadd.s32 v1, v49;
	v53 =	vmax.f32 v6, $0.0e+00  }
0x6b: {  	v49 =	vand.u32 $0xF, v1;
	v6 =	vmax.f32 v17, $0.0e+00;
	v17 =	vmax.f32 v9, $0.0e+00;
	[tilespmem:$0x200] =	vst v45  }
0x6c: {  	v0 =	vshra.s32 v0, $0x4;
	v3 =	vmin.f32 v53, $5.110000000e+02;
	[tilespmem:$0x210] =	vst v49;
	v45 =	vmax.f32 v21, $0.0e+00  }
0x6d: {  	v49 =	vand.u32 $0xF, v4;
	v21 =	vmin.f32 v18, $5.110000000e+02;
	[tilespmem:$0x1FF70] =	vst v48;
	v48 =	vadd.s32 v56, v2  }
0x6e: {  	v2 =	vmin.f32 v50, $5.110000000e+02;
	v50 =	vadd.s32 v56, v0;
	v55 =	vtrunc.f32 v3  }
0x6f: {  	[tilespmem:$0x1FF50] =	vst v59;
	v3 =	vmin.f32 v6, $5.110000000e+02;
	v2 =	vtrunc.f32 v2;
	v59 =	vcvt.f32.s32 v55  }
0x70: {  	[tilespmem:$0x1FF20] =	vst v54;
	v6 =	vmax.f32 v60, $0.0e+00;
	v3 =	vtrunc.f32 v3;
	v54 =	vcvt.f32.s32 v2  }
0x71: {  	v2 =	vmin.f32 v5, $5.110000000e+02;
	v8 =	vcvt.f32.s32 v3;
	v3 =	vmin.f32 v17, $5.110000000e+02  }
0x72: {  	v5 =	vmin.f32 v19, $5.110000000e+02;
	v2 =	vtrunc.f32 v2;
	v3 =	vtrunc.f32 v3  }
0x73: {  	[tilespmem:$0x0] =	vst v48;
	v48 =	vmax.f32 v29, $0.0e+00;
	v5 =	vtrunc.f32 v5;
	v2 =	vcvt.f32.s32 v2  }
0x74: {  	v0 =	vshll.u32 v54, $0x9;
	v3 =	vcvt.f32.s32 v3;
	v30 =	vcvt.f32.s32 v5  }
0x75: {  	v54 =	vand.u32 $0xF, v8;
	v0 =	vadd.s32 v59, v0;
	v59 =	vand.u32 $0xF, v59  }
0x76: {  	[tilespmem:$0x230] =	vst v54;
	v54 =	vmax.f32 v24, $0.0e+00;
	v0 =	vshra.s32 v0, $0x4;
	v2 =	vshll.u32 v2, $0x9  }
0x77: {  	v5 =	vshll.u32 v3, $0x9;
	[tilespmem:$0x220] =	vst v59;
	v59 =	vmax.f32 v22, $0.0e+00;
	v22 =	vmax.f32 v20, $0.0e+00  }
0x78: {  	v53 =	vadd.s32 v56, v0;
	v2 =	vadd.s32 v8, v2;
	v0 =	vadd.s32 v30, v5  }
0x79: {  	v8 =	vmax.f32 v57, $0.0e+00;
	v57 =	vand.u32 $0xF, v30;
	v30 =	vmax.f32 v62, $0.0e+00  }
0x7a: {  	v2 =	vshra.s32 v2, $0x4;
	v0 =	vshra.s32 v0, $0x4;
	v3 =	vmin.f32 v8, $5.110000000e+02  }
0x7b: {  	v8 =	vmax.f32 v11, $0.0e+00;
	[tilespmem:$0x240] =	vst v57;
	v57 =	vmin.f32 v54, $5.110000000e+02;
	v55 =	vadd.s32 v56, v2  }
0x7c: {  	v2 =	vmin.f32 v6, $5.110000000e+02;
	v60 =	vadd.s32 v56, v0;
	v17 =	vtrunc.f32 v3  }
0x7d: {  	v3 =	vmin.f32 v61, $5.110000000e+02;
	v2 =	vtrunc.f32 v2;
	v19 =	vcvt.f32.s32 v17  }
0x7e: {  	v3 =	vtrunc.f32 v3;
	[tilespmem:$0x40] =	vst v60;
	v60 =	vmax.f32 v25, $0.0e+00;
	v9 =	vcvt.f32.s32 v2  }
0x7f: {  	v2 =	vmin.f32 v30, $5.110000000e+02;
	v62 =	vcvt.f32.s32 v3;
	v3 =	vmin.f32 v8, $5.110000000e+02  }
0x80: {  	v30 =	vmax.f32 v13, $0.0e+00;
	v13 =	vmax.f32 v14, $0.0e+00;
	v14 =	vmax.f32 v43, $0.0e+00  }
0x81: {  	v2 =	vtrunc.f32 v2;
	v3 =	vtrunc.f32 v3;
	v11 =	vand.u32 $0xF, v19  }
0x82: {  	v0 =	vshll.u32 v9, $0x9;
	v2 =	vcvt.f32.s32 v2;
	v9 =	vmax.f32 v10, $0.0e+00  }
0x83: {  	v3 =	vcvt.f32.s32 v3;
	v0 =	vadd.s32 v19, v0;
	v5 =	vmin.f32 v9, $5.110000000e+02  }
0x84: {  	v19 =	vmax.f32 v12, $0.0e+00;
	v0 =	vshra.s32 v0, $0x4;
	v2 =	vshll.u32 v2, $0x9  }
0x85: {  	v5 =	vtrunc.f32 v5;
	v17 =	vshll.u32 v3, $0x9;
	v3 =	vmin.f32 v30, $5.110000000e+02  }
0x86: {  	v30 =	vmax.f32 v63, $0.0e+00;
	v61 =	vadd.s32 v56, v0;
	v2 =	vadd.s32 v62, v2  }
0x87: {  	v10 =	vcvt.f32.s32 v5;
	v62 =	vand.u32 $0xF, v62;
	v6 =	vtrunc.f32 v3  }
0x88: {  	v3 =	vmin.f32 v14, $5.110000000e+02;
	v2 =	vshra.s32 v2, $0x4;
	v8 =	vcvt.f32.s32 v6  }
0x89: {  	v3 =	vtrunc.f32 v3;
	v6 =	vmax.f32 v58, $0.0e+00;
	[tilespmem:$0x260] =	vst v62;
	v62 =	vmax.f32 v23, $0.0e+00  }
0x8a: {  	v23 =	vmin.f32 v22, $5.110000000e+02;
	v9 =	vadd.s32 v56, v2;
	v0 =	vadd.s32 v10, v17  }
0x8b: {  	v2 =	vmin.f32 v19, $5.110000000e+02;
	v10 =	vand.u32 $0xF, v10;
	v17 =	vcvt.f32.s32 v3  }
0x8c: {  	v19 =	vmax.f32 v44, $0.0e+00;
	v0 =	vshra.s32 v0, $0x4;
	v2 =	vtrunc.f32 v2  }
0x8d: {  	v3 =	vmin.f32 v19, $5.110000000e+02;
	v63 =	vand.u32 $0xF, v8;
	v12 =	vadd.s32 v56, v0  }
0x8e: {  	v5 =	vcvt.f32.s32 v2;
	v2 =	vmin.f32 v13, $5.110000000e+02;
	v3 =	vtrunc.f32 v3  }
0x8f: {  	v2 =	vtrunc.f32 v2;
	v3 =	vcvt.f32.s32 v3;
	[tilespmem:$0x70] =	vst v12;
	v12 =	vmin.f32 v45, $5.110000000e+02  }
0x90: {  	v0 =	vshll.u32 v5, $0x9;
	v2 =	vcvt.f32.s32 v2;
	v5 =	vmin.f32 v30, $5.110000000e+02  }
0x91: {  	v30 =	vmax.f32 v52, $0.0e+00;
	v52 =	vmax.f32 v47, $0.0e+00;
	v12 =	vtrunc.f32 v12  }
0x92: {  	v0 =	vadd.s32 v8, v0;
	v5 =	vtrunc.f32 v5;
	v44 =	vshll.u32 v3, $0x9  }
0x93: {  	v3 =	vmin.f32 v6, $5.110000000e+02;
	v8 =	vmax.f32 v33, $0.0e+00;
	v33 =	vmax.f32 v51, $0.0e+00  }
0x94: {  	v12 =	vcvt.f32.s32 v12;
	v0 =	vshra.s32 v0, $0x4;
	v2 =	vshll.u32 v2, $0x9  }
0x95: {  	v43 =	vcvt.f32.s32 v5;
	v5 =	vmin.f32 v8, $5.110000000e+02;
	v3 =	vtrunc.f32 v3  }
0x96: {  	v6 =	vmin.f32 v33, $5.110000000e+02;
	v8 =	vmin.f32 v52, $5.110000000e+02;
	v13 =	vadd.s32 v56, v0  }
0x97: {  	v2 =	vadd.s32 v17, v2;
	v0 =	vand.u32 $0xF, v17;
	v17 =	vcvt.f32.s32 v3  }
0x98: {  	v19 =	vtrunc.f32 v5;
	v5 =	vmin.f32 v30, $5.110000000e+02;
	v6 =	vtrunc.f32 v6  }
0x99: {  	v8 =	vtrunc.f32 v8;
	v30 =	vmax.f32 v35, $0.0e+00;
	v12 =	vshll.u32 v12, $0x9  }
0x9a: {  	v2 =	vshra.s32 v2, $0x4;
	v1 =	vand.u32 $0xF, v43;
	v3 =	vcvt.f32.s32 v19  }
0x9b: {  	v5 =	vtrunc.f32 v5;
	v19 =	vmax.f32 v34, $0.0e+00;
	[tilespmem:$0x80] =	vst v13;
	v13 =	vmin.f32 v48, $5.110000000e+02  }
0x9c: {  	v14 =	vadd.s32 v56, v2;
	v2 =	vadd.s32 v43, v44;
	v5 =	vcvt.f32.s32 v5  }
0x9d: {  	v43 =	vcvt.f32.s32 v6;
	v6 =	vmin.f32 v46, $5.110000000e+02;
	v13 =	vtrunc.f32 v13  }
0x9e: {  	[tilespmem:$0x20] =	vst v53;
	v2 =	vshra.s32 v2, $0x4;
	v6 =	vtrunc.f32 v6;
	v52 =	vand.u32 $0xF, v3  }
0x9f: {  	[tilespmem:$0x90] =	vst v14;
	v53 =	vcvt.f32.s32 v13;
	v14 =	vmin.f32 v59, $5.110000000e+02;
	v58 =	vadd.s32 v56, v2  }
0xa0: {  	v2 =	vshll.u32 v17, $0x9;
	v5 =	vshll.u32 v5, $0x9;
	v6 =	vcvt.f32.s32 v6  }
0xa1: {  	v46 =	vand.u32 $0xF, v43;
	v14 =	vtrunc.f32 v14;
	v2 =	vadd.s32 v3, v2  }
0xa2: {  	[tilespmem:$0x30] =	vst v55;
	v5 =	vadd.s32 v43, v5;
	v3 =	vcvt.f32.s32 v8;
	v55 =	vadd.s32 v53, v12  }
0xa3: {  	[tilespmem:$0xA0] =	vst v58;
	v58 =	vmax.f32 v27, $0.0e+00;
	v12 =	vtrunc.f32 v57;
	v14 =	vcvt.f32.s32 v14  }
0xa4: {  	v2 =	vshra.s32 v2, $0x4;
	v5 =	vshra.s32 v5, $0x4;
	v17 =	vshll.u32 v6, $0x9  }
0xa5: {  	[tilespmem:$0x2A0] =	vst v1;
	v6 =	vmin.f32 v30, $5.110000000e+02;
	v1 =	vshra.s32 v55, $0x4;
	v13 =	vmin.f32 v58, $5.110000000e+02  }
0xa6: {  	v12 =	vcvt.f32.s32 v12;
	v51 =	vadd.s32 v56, v2;
	v47 =	vadd.s32 v56, v5  }
0xa7: {  	v2 =	vadd.s32 v3, v17;
	v5 =	vmin.f32 v19, $5.110000000e+02;
	v34 =	vtrunc.f32 v6  }
0xa8: {  	v43 =	vand.u32 $0xF, v3;
	v17 =	vmax.f32 v41, $0.0e+00;
	v19 =	vmax.f32 v42, $0.0e+00  }
0xa9: {  	v1 =	vadd.s32 v56, v1;
	v13 =	vtrunc.f32 v13;
	v14 =	vshll.u32 v14, $0x9  }
0xaa: {  	v2 =	vshra.s32 v2, $0x4;
	v5 =	vtrunc.f32 v5;
	v35 =	vcvt.f32.s32 v34  }
0xab: {  	v6 =	vmin.f32 v19, $5.110000000e+02;
	v34 =	vmax.f32 v40, $0.0e+00;
	v19 =	vmax.f32 v37, $0.0e+00  }
0xac: {  	v13 =	vcvt.f32.s32 v13;
	v12 =	vshll.u32 v12, $0x9;
	v44 =	vadd.s32 v56, v2  }
0xad: {  	v33 =	vcvt.f32.s32 v5;
	v5 =	vmin.f32 v17, $5.110000000e+02;
	v6 =	vtrunc.f32 v6  }
0xae: {  	v8 =	vmin.f32 v34, $5.110000000e+02;
	v5 =	vtrunc.f32 v5;
	v30 =	vcvt.f32.s32 v6  }
0xaf: {  	v8 =	vtrunc.f32 v8;
	v42 =	vand.u32 $0xF, v35;
	v12 =	vadd.s32 v13, v12  }
0xb0: {  	v13 =	vand.u32 $0xF, v13;
	v2 =	vshll.u32 v33, $0x9;
	v5 =	vcvt.f32.s32 v5  }
0xb1: {  	v33 =	vmax.f32 v39, $0.0e+00;
	v12 =	vshra.s32 v12, $0x4;
	v2 =	vadd.s32 v35, v2  }
0xb2: {  	v6 =	vmin.f32 v33, $5.110000000e+02;
	v35 =	vcvt.f32.s32 v8;
	v39 =	vand.u32 $0xF, v30  }
0xb3: {  	v12 =	vadd.s32 v56, v12;
	v5 =	vshll.u32 v5, $0x9;
	v6 =	vtrunc.f32 v6  }
0xb4: {  	v2 =	vshra.s32 v2, $0x4;
	v5 =	vadd.s32 v30, v5;
	v6 =	vcvt.f32.s32 v6  }
0xb5: {  	v41 =	vadd.s32 v56, v2;
	v30 =	vmax.f32 v38, $0.0e+00;
	v5 =	vshra.s32 v5, $0x4  }
0xb6: {  	v37 =	vand.u32 $0xF, v35;
	v40 =	vadd.s32 v56, v5;
	v17 =	vshll.u32 v6, $0x9  }
0xb7: {  	v8 =	vld [tilespmem:$0x1FEE0];
	v5 =	vmin.f32 v19, $5.110000000e+02;
	v6 =	vmin.f32 v30, $5.110000000e+02;
	v19 =	vmax.f32 v15, $0.0e+00  }
0xb8: {  	v30 =	vmax.f32 v31, $0.0e+00;
	v31 =	vmax.f32 v28, $0.0e+00;
	v28 =	vmax.f32 v26, $0.0e+00  }
0xb9: {  	[tilespmem:$0x50] =	vst v61;
	v61 =	vld [tilespmem:$0x1FEF0];
	v2 =	vadd.s32 v35, v17;
	v5 =	vtrunc.f32 v5;
	v34 =	vtrunc.f32 v6  }
0xba: {  	[tilespmem:$0x250] =	vst v11;
	v17 =	vmax.f32 v36, $0.0e+00;
	v15 =	vmin.f32 v30, $5.110000000e+02;
	v11 =	vmin.f32 v31, $5.110000000e+02  }
0xbb: {  	v29 =	vmin.f32 v28, $5.110000000e+02;
	v2 =	vshra.s32 v2, $0x4;
	v33 =	vcvt.f32.s32 v5  }
0xbc: {  	v35 =	vcvt.f32.s32 v34;
	v5 =	vmax.f32 v8, $0.0e+00;
	v6 =	vmin.f32 v17, $5.110000000e+02  }
0xbd: {  	[tilespmem:$0x340] =	vst v49;
	v8 =	vmin.f32 v19, $5.110000000e+02;
	v15 =	vtrunc.f32 v15;
	v34 =	vmax.f32 v32, $0.0e+00  }
0xbe: {  	[tilespmem:$0x10] =	vst v50;
	v11 =	vtrunc.f32 v11;
	v17 =	vmax.f32 v61, $0.0e+00;
	v19 =	vmin.f32 v62, $5.110000000e+02  }
0xbf: {  	[tilespmem:$0x60] =	vst v9;
	v30 =	vtrunc.f32 v29;
	v38 =	vadd.s32 v56, v2;
	v6 =	vtrunc.f32 v6  }
0xc0: {  	[tilespmem:$0x270] =	vst v10;
	v5 =	vmin.f32 v5, $5.110000000e+02;
	v8 =	vtrunc.f32 v8;
	v15 =	vcvt.f32.s32 v15  }
0xc1: {  	[tilespmem:$0x280] =	vst v63;
	v11 =	vcvt.f32.s32 v11;
	v17 =	vmin.f32 v17, $5.110000000e+02;
	v19 =	vtrunc.f32 v19  }
0xc2: {  	[tilespmem:$0x290] =	vst v0;
	v2 =	vshll.u32 v33, $0x9;
	v5 =	vtrunc.f32 v5;
	v6 =	vcvt.f32.s32 v6  }
0xc3: {  	[tilespmem:$0x2B0] =	vst v52;
	v8 =	vcvt.f32.s32 v8;
	v3 =	vand.u32 $0xF, v35;
	v17 =	vtrunc.f32 v17  }
0xc4: {  	[tilespmem:$0x2C0] =	vst v46;
	v19 =	vcvt.f32.s32 v19;
	v2 =	vadd.s32 v35, v2;
	v5 =	vcvt.f32.s32 v5  }
0xc5: {  	[tilespmem:$0xB0] =	vst v51;
	v33 =	vshll.u32 v15, $0x9;
	v15 =	vmin.f32 v34, $5.110000000e+02;
	v11 =	vshll.u32 v11, $0x9  }
0xc6: {  	v17 =	vcvt.f32.s32 v17;
	[tilespmem:$0x310] =	vst v3;
	v3 =	vtrunc.f32 v23;
	v34 =	vmax.f32 v16, $0.0e+00  }
0xc7: {  	[tilespmem:$0xC0] =	vst v47;
	v2 =	vshra.s32 v2, $0x4;
	v8 =	vshll.u32 v8, $0x9;
	v9 =	vadd.s32 v4, v33  }
0xc8: {  	[tilespmem:$0x2D0] =	vst v43;
	v35 =	vtrunc.f32 v15;
	v15 =	vmin.f32 v60, $5.110000000e+02;
	v3 =	vcvt.f32.s32 v3  }
0xc9: {  	[tilespmem:$0x160] =	vst v1;
	v31 =	vand.u32 $0xF, v19;
	v2 =	vadd.s32 v56, v2;
	v5 =	vshll.u32 v5, $0x9  }
0xca: {  	[tilespmem:$0xD0] =	vst v44;
	v8 =	vadd.s32 v7, v8;
	v7 =	vand.u32 $0xF, v7;
	v9 =	vshra.s32 v9, $0x4  }
0xcb: {  	v25 =	vld [tilespmem:$0x1FF00];
	[tilespmem:$0x2E0] =	vst v42;
	v36 =	vcvt.f32.s32 v35;
	v15 =	vtrunc.f32 v15;
	v17 =	vshll.u32 v17, $0x9  }
0xcc: {  	[tilespmem:$0x100] =	vst v38;
	v38 =	vld [tilespmem:$0x1FF30];
	v5 =	vadd.s32 v6, v5;
	v6 =	vand.u32 $0xF, v6;
	v8 =	vshra.s32 v8, $0x4  }
0xcd: {  	[tilespmem:$0x300] =	vst v37;
	v9 =	vadd.s32 v56, v9;
	v15 =	vcvt.f32.s32 v15;
	v63 =	vadd.s32 v19, v17  }
0xce: {  	v37 =	vld [tilespmem:$0x1FF20];
	v17 =	vtrunc.f32 v21;
	[tilespmem:$0x330] =	vst v7;
	v7 =	vcvt.f32.s32 v30;
	v5 =	vshra.s32 v5, $0x4  }
0xcf: {  	[tilespmem:$0x370] =	vst v13;
	v8 =	vadd.s32 v56, v8;
	v11 =	vadd.s32 v36, v11;
	v10 =	vand.u32 $0xF, v36  }
0xd0: {  	[tilespmem:$0x110] =	vst v2;
	v2 =	vshra.s32 v63, $0x4;
	v24 =	vcvt.f32.s32 v17;
	v17 =	vmax.f32 v25, $0.0e+00  }
0xd1: {  	[tilespmem:$0x140] =	vst v9;
	v36 =	vmin.f32 v34, $5.110000000e+02;
	v9 =	vmax.f32 v38, $0.0e+00;
	v5 =	vadd.s32 v56, v5  }
0xd2: {  	[tilespmem:$0x2F0] =	vst v39;
	v11 =	vshra.s32 v11, $0x4;
	v14 =	vadd.s32 v15, v14;
	v15 =	vand.u32 $0xF, v15  }
0xd3: {  	v27 =	vmin.f32 v17, $5.110000000e+02;
	[tilespmem:$0x130] =	vst v8;
	v2 =	vadd.s32 v56, v2;
	v8 =	vmax.f32 v37, $0.0e+00  }
0xd4: {  	v33 =	vld [tilespmem:$0x1FF10];
	[tilespmem:$0x320] =	vst v6;
	v9 =	vmin.f32 v9, $5.110000000e+02;
	v50 =	vadd.s32 v56, v11;
	v11 =	vand.u32 $0xF, v53  }
0xd5: {  	v14 =	vshra.s32 v14, $0x4;
	[tilespmem:$0x120] =	vst v5;
	v5 =	vshll.u32 v24, $0x9;
	v6 =	vtrunc.f32 v27  }
0xd6: {  	[tilespmem:$0x170] =	vst v12;
	v8 =	vmin.f32 v8, $5.110000000e+02;
	v9 =	vtrunc.f32 v9;
	v6 =	vcvt.f32.s32 v6  }
0xd7: {  	[tilespmem:$0xE0] =	vst v41;
	v14 =	vadd.s32 v56, v14;
	v5 =	vadd.s32 v3, v5;
	v3 =	vand.u32 $0xF, v3  }
0xd8: {  	v45 =	vld [tilespmem:$0x1FF50];
	[tilespmem:$0xF0] =	vst v40;
	v8 =	vtrunc.f32 v8;
	v9 =	vcvt.f32.s32 v9;
	v6 =	vshll.u32 v6, $0x9  }
0xd9: {  	v41 =	vld [tilespmem:$0x1FF40];
	[tilespmem:$0x390] =	vst v31;
	v5 =	vshra.s32 v5, $0x4;
	v32 =	vadd.s32 v7, v6;
	v6 =	vmax.f32 v33, $0.0e+00  }
0xda: {  	[tilespmem:$0x350] =	vst v10;
	v8 =	vcvt.f32.s32 v8;
	v5 =	vadd.s32 v56, v5;
	v6 =	vmin.f32 v6, $5.110000000e+02  }
0xdb: {  	[tilespmem:$0x380] =	vst v15;
	v60 =	vand.u32 $0xF, v9;
	v4 =	vshra.s32 v32, $0x4;
	v6 =	vtrunc.f32 v6  }
0xdc: {  	[tilespmem:$0x190] =	vst v2;
	v35 =	vadd.s32 v56, v4;
	v4 =	vtrunc.f32 v36;
	v6 =	vcvt.f32.s32 v6  }
0xdd: {  	v48 =	vld [tilespmem:$0x1FF60];
	[tilespmem:$0x150] =	vst v50;
	v7 =	vand.u32 $0xF, v7;
	v40 =	vshll.u32 v8, $0x9;
	v4 =	vcvt.f32.s32 v4  }
0xde: {  	v51 =	vld [tilespmem:$0x1FF70];
	v8 =	vmax.f32 v41, $0.0e+00;
	[tilespmem:$0x1A0] =	vst v5;
	v5 =	vmax.f32 v45, $0.0e+00;
	v6 =	vshll.u32 v6, $0x9  }
0xdf: {  	[tilespmem:$0x360] =	vst v11;
	v43 =	vadd.s32 v9, v40;
	v46 =	vmin.f32 v5, $5.110000000e+02;
	v6 =	vadd.s32 v4, v6  }
0xe0: {  	[tilespmem:$0x180] =	vst v14;
	v44 =	vmin.f32 v8, $5.110000000e+02;
	v49 =	vtrunc.f32 v46;
	v6 =	vshra.s32 v6, $0x4  }
0xe1: {  	[tilespmem:$0x3A0] =	vst v3;
	v1 =	vcvt.f32.s32 v49;
	v39 =	vadd.s32 v56, v6;
	v6 =	vtrunc.f32 v44  }
0xe2: {  	[tilespmem:$0x3D0] =	vst v60;
	v42 =	vand.u32 $0xF, v4;
	v47 =	vcvt.f32.s32 v6;
	v6 =	vmax.f32 v48, $0.0e+00  }
0xe3: {  	[tilespmem:$0x3B0] =	vst v7;
	v4 =	vshra.s32 v43, $0x4;
	v50 =	vmin.f32 v6, $5.110000000e+02;
	v6 =	vmax.f32 v51, $0.0e+00  }
0xe4: {  	[tilespmem:$0x1B0] =	vst v35;
	v57 =	vadd.s32 v56, v4;
	v6 =	vmin.f32 v6, $5.110000000e+02;
	v3 =	vtrunc.f32 v50  }
0xe5: {  	[tilespmem:$0x3C0] =	vst v42;
	v53 =	vshll.u32 v47, $0x9;
	v3 =	vcvt.f32.s32 v3;
	v54 =	vtrunc.f32 v6  }
0xe6: {  	v59 =	vld [tilespmem:$0x1FF90];
	[tilespmem:$0x1D0] =	vst v57;
	v2 =	vadd.s32 v1, v53;
	v58 =	vcvt.f32.s32 v54  }
0xe7: {  	v52 =	vld [tilespmem:$0x1FFB0];
	[tilespmem:$0x1C0] =	vst v39;
	v1 =	vand.u32 $0xF, v1;
	v2 =	vshra.s32 v2, $0x4;
	v3 =	vshll.u32 v3, $0x9  }
0xe8: {  	v55 =	vld [tilespmem:$0x1FFA0];
	[tilespmem:$0x3E0] =	vst v1;
	v62 =	vadd.s32 v56, v2;
	v63 =	vadd.s32 v58, v3  }
0xe9: {  	v61 =	vld [tilespmem:$0x1FFD0];
	[tilespmem:$0x1E0] =	vst v62;
	v13 =	vand.u32 $0xF, v58;
	v12 =	vshra.s32 v63, $0x4  }
0xea: {  	v10 =	vld [tilespmem:$0x1FFE0];
	[tilespmem:$0x3F0] =	vst v13;
	v0 =	vadd.s32 v56, v12  }
0xeb: {  	v11 =	vld [tilespmem:$0x1FFF0];
	[tilespmem:$0x1F0] =	vst v0  }
0xec: {  	v14 =	vld [tilespmem:$0x1FF80];
	[tilespmem:s18], [sflag:$0x1] =	stream.indirect.gather [hbm4b:s2+s17], $0x10, s3, s17, $0xb8  }
0xed: {  	v8 =	vld [tilespmem:$0x1FFC0];
	_ =	swait.ge [sflag:s8], $0x800  }
0xee: {  	[sflag:s8] =	ssyncset.done $0x0  }
0xef: {  	[sflag:s8] =	ssyncadd.s32 $0xFFFFF800  }
0xf0: {  	[tilespmem:s19], [sflag:$0x1] =	stream.indirect.gather [hbm4b:s2+s17], $0x10, s17, s17, $0xb8;
	[tilespmem:$0x2B00] =	vst v63  }
0xf1: {  	_ =	swait.ge [sflag:s8], $0x800  }
0xf2: {  	[sflag:s8] =	ssyncset.done $0x0  }
0xf3: {  	[sflag:s8] =	ssyncadd.s32 $0xFFFFF800  }
0xf4: {  	[tilespmem:s21], [sflag:$0x1] =	stream.indirect.gather [hbm4b:s2+s17], $0x10, s20, s17, $0xb8;
	[tilespmem:$0x2B00] =	vst v63  }
0xf5: {  	_ =	swait.ge [sflag:s8], $0x800  }
0xf6: {  	[sflag:s8] =	ssyncset.done $0x0  }
0xf7: {  	[sflag:s8] =	ssyncadd.s32 $0xFFFFF800  }
0xf8: {  	[tilespmem:s23], [sflag:$0x1] =	stream.indirect.gather [hbm4b:s2+s17], $0x10, s22, s17, $0xb8;
	[tilespmem:$0x2B00] =	vst v63  }
0xf9: {  	_ =	swait.ge [sflag:s8], $0x800  }
0xfa: {  	[sflag:s8] =	ssyncset.done $0x0  }
0xfb: {  	[sflag:s8] =	ssyncadd.s32 $0xFFFFF800  }
0xfc: {  	v15 =	vld [tilespmem:$0x200]  }
0xfd: {  	v16 =	vld [tilespmem:$0x300];
	_ =	sdelay $0x3  }
0xfe: {  	v0 =	vadd.s32 v14, v15  }
0xff: {  	v1 =	vadd.s32 v14, v16;
	_ =	sdelay $0x1  }
0x100: {  	v17 =	vld [tilespmem:$0x210]  }
0x101: {  	v18 =	vld [tilespmem:$0x310]  }
0x102: {  	v0 =	vld.idx.msk [tilespmem:v0+s18+$0x0], $0xffff  }
0x103: {  	v1 =	vld.idx.msk [tilespmem:v1+s21+$0x0], $0xffff;
	_ =	sdelay $0x2  }
0x104: {  	v2 =	vadd.s32 v59, v17  }
0x105: {  	v3 =	vadd.s32 v59, v18  }
0x106: {  	v0 =	vsub.f32 v0, v1  }
0x107: {  	v19 =	vld [tilespmem:$0x220]  }
0x108: {  	v22 =	vld [tilespmem:$0x320];
	[tilespmem:$0x2400] =	vst v0  }
0x109: {  	v20 =	vld.idx.msk [tilespmem:v2+s18+$0x0], $0xffff  }
0x10a: {  	v21 =	vld.idx.msk [tilespmem:v3+s21+$0x0], $0xffff;
	_ =	sdelay $0x2  }
0x10b: {  	v0 =	vadd.s32 v55, v19  }
0x10c: {  	v23 =	vadd.s32 v55, v22  }
0x10d: {  	v1 =	vsub.f32 v20, v21  }
0x10e: {  	v24 =	vld [tilespmem:$0x230]  }
0x10f: {  	v25 =	vld [tilespmem:$0x330];
	[tilespmem:$0x2410] =	vst v1  }
0x110: {  	v0 =	vld.idx.msk [tilespmem:v0+s18+$0x0], $0xffff  }
0x111: {  	v2 =	vld.idx.msk [tilespmem:v23+s21+$0x0], $0xffff;
	_ =	sdelay $0x2  }
0x112: {  	v1 =	vadd.s32 v52, v24  }
0x113: {  	v3 =	vadd.s32 v52, v25  }
0x114: {  	v0 =	vsub.f32 v0, v2  }
0x115: {  	v26 =	vld [tilespmem:$0x240]  }
0x116: {  	v28 =	vld [tilespmem:$0x340];
	[tilespmem:$0x2420] =	vst v0  }
0x117: {  	v1 =	vld.idx.msk [tilespmem:v1+s18+$0x0], $0xffff  }
0x118: {  	v27 =	vld.idx.msk [tilespmem:v3+s21+$0x0], $0xffff;
	_ =	sdelay $0x2  }
0x119: {  	v0 =	vadd.s32 v8, v26  }
0x11a: {  	v29 =	vadd.s32 v8, v28  }
0x11b: {  	v1 =	vsub.f32 v1, v27  }
0x11c: {  	v30 =	vld [tilespmem:$0x250]  }
0x11d: {  	v31 =	vld [tilespmem:$0x350];
	[tilespmem:$0x2430] =	vst v1  }
0x11e: {  	v0 =	vld.idx.msk [tilespmem:v0+s18+$0x0], $0xffff  }
0x11f: {  	v2 =	vld.idx.msk [tilespmem:v29+s21+$0x0], $0xffff;
	_ =	sdelay $0x2  }
0x120: {  	v1 =	vadd.s32 v61, v30  }
0x121: {  	v3 =	vadd.s32 v61, v31  }
0x122: {  	v0 =	vsub.f32 v0, v2  }
0x123: {  	v32 =	vld [tilespmem:$0x260]  }
0x124: {  	v34 =	vld [tilespmem:$0x360];
	[tilespmem:$0x2440] =	vst v0  }
0x125: {  	v1 =	vld.idx.msk [tilespmem:v1+s18+$0x0], $0xffff  }
0x126: {  	v33 =	vld.idx.msk [tilespmem:v3+s21+$0x0], $0xffff;
	_ =	sdelay $0x2  }
0x127: {  	v0 =	vadd.s32 v10, v32  }
0x128: {  	v35 =	vadd.s32 v10, v34  }
0x129: {  	v1 =	vsub.f32 v1, v33  }
0x12a: {  	v36 =	vld [tilespmem:$0x270]  }
0x12b: {  	v37 =	vld [tilespmem:$0x370];
	[tilespmem:$0x2450] =	vst v1  }
0x12c: {  	v0 =	vld.idx.msk [tilespmem:v0+s18+$0x0], $0xffff  }
0x12d: {  	v2 =	vld.idx.msk [tilespmem:v35+s21+$0x0], $0xffff;
	_ =	sdelay $0x2  }
0x12e: {  	v1 =	vadd.s32 v11, v36  }
0x12f: {  	v3 =	vadd.s32 v11, v37  }
0x130: {  	v0 =	vsub.f32 v0, v2  }
0x131: {  	v38 =	vld [tilespmem:$0x280]  }
0x132: {  	v40 =	vld [tilespmem:$0x380];
	[tilespmem:$0x2460] =	vst v0  }
0x133: {  	v1 =	vld.idx.msk [tilespmem:v1+s18+$0x0], $0xffff  }
0x134: {  	v39 =	vld.idx.msk [tilespmem:v3+s21+$0x0], $0xffff;
	_ =	sdelay $0x2  }
0x135: {  	v0 =	vadd.s32 v14, v38  }
0x136: {  	v41 =	vadd.s32 v14, v40  }
0x137: {  	v1 =	vsub.f32 v1, v39  }
0x138: {  	v42 =	vld [tilespmem:$0x290]  }
0x139: {  	v43 =	vld [tilespmem:$0x390];
	[tilespmem:$0x2470] =	vst v1  }
0x13a: {  	v0 =	vld.idx.msk [tilespmem:v0+s19+$0x0], $0xffff  }
0x13b: {  	v2 =	vld.idx.msk [tilespmem:v41+s23+$0x0], $0xffff;
	_ =	sdelay $0x2  }
0x13c: {  	v1 =	vadd.s32 v59, v42  }
0x13d: {  	v3 =	vadd.s32 v59, v43  }
0x13e: {  	v0 =	vsub.f32 v0, v2  }
0x13f: {  	v44 =	vld [tilespmem:$0x2A0]  }
0x140: {  	v46 =	vld [tilespmem:$0x3A0];
	[tilespmem:$0x2480] =	vst v0  }
0x141: {  	v1 =	vld.idx.msk [tilespmem:v1+s19+$0x0], $0xffff  }
0x142: {  	v45 =	vld.idx.msk [tilespmem:v3+s23+$0x0], $0xffff;
	_ =	sdelay $0x2  }
0x143: {  	v0 =	vadd.s32 v55, v44  }
0x144: {  	v47 =	vadd.s32 v55, v46  }
0x145: {  	v1 =	vsub.f32 v1, v45  }
0x146: {  	v48 =	vld [tilespmem:$0x2B0]  }
0x147: {  	v49 =	vld [tilespmem:$0x3B0];
	[tilespmem:$0x2490] =	vst v1  }
0x148: {  	v0 =	vld.idx.msk [tilespmem:v0+s19+$0x0], $0xffff  }
0x149: {  	v2 =	vld.idx.msk [tilespmem:v47+s23+$0x0], $0xffff;
	_ =	sdelay $0x2  }
0x14a: {  	v1 =	vadd.s32 v52, v48  }
0x14b: {  	v3 =	vadd.s32 v52, v49  }
0x14c: {  	v0 =	vsub.f32 v0, v2  }
0x14d: {  	v50 =	vld [tilespmem:$0x2C0]  }
0x14e: {  	v52 =	vld [tilespmem:$0x3C0];
	[tilespmem:$0x24A0] =	vst v0  }
0x14f: {  	v1 =	vld.idx.msk [tilespmem:v1+s19+$0x0], $0xffff  }
0x150: {  	v51 =	vld.idx.msk [tilespmem:v3+s23+$0x0], $0xffff;
	_ =	sdelay $0x2  }
0x151: {  	v0 =	vadd.s32 v8, v50  }
0x152: {  	v53 =	vadd.s32 v8, v52  }
0x153: {  	v1 =	vsub.f32 v1, v51  }
0x154: {  	v54 =	vld [tilespmem:$0x2D0]  }
0x155: {  	v55 =	vld [tilespmem:$0x3D0];
	[tilespmem:$0x24B0] =	vst v1  }
0x156: {  	v0 =	vld.idx.msk [tilespmem:v0+s19+$0x0], $0xffff  }
0x157: {  	v2 =	vld.idx.msk [tilespmem:v53+s23+$0x0], $0xffff;
	_ =	sdelay $0x2  }
0x158: {  	v1 =	vadd.s32 v61, v54  }
0x159: {  	v3 =	vadd.s32 v61, v55  }
0x15a: {  	v0 =	vsub.f32 v0, v2  }
0x15b: {  	v57 =	vld [tilespmem:$0x2E0]  }
0x15c: {  	v59 =	vld [tilespmem:$0x3E0];
	[tilespmem:$0x24C0] =	vst v0  }
0x15d: {  	v1 =	vld.idx.msk [tilespmem:v1+s19+$0x0], $0xffff  }
0x15e: {  	v58 =	vld.idx.msk [tilespmem:v3+s23+$0x0], $0xffff;
	_ =	sdelay $0x2  }
0x15f: {  	v0 =	vadd.s32 v10, v57  }
0x160: {  	v60 =	vadd.s32 v10, v59  }
0x161: {  	v1 =	vsub.f32 v1, v58  }
0x162: {  	v62 =	vld [tilespmem:$0x3F0]  }
0x163: {  	v61 =	vld [tilespmem:$0x2F0];
	[tilespmem:$0x24D0] =	vst v1  }
0x164: {  	v0 =	vld.idx.msk [tilespmem:v0+s19+$0x0], $0xffff  }
0x165: {  	v2 =	vld.idx.msk [tilespmem:v60+s23+$0x0], $0xffff;
	_ =	sdelay $0x2  }
0x166: {  	v1 =	vadd.s32 v11, v61  }
0x167: {  	v3 =	vadd.s32 v11, v62  }
0x168: {  	v0 =	vsub.f32 v0, v2;
	_ =	sdelay $0x1  }
0x169: {  	[tilespmem:$0x24E0] =	vst v0  }
0x16a: {  	v0 =	vld.idx.msk [tilespmem:v1+s19+$0x0], $0xffff  }
0x16b: {  	v63 =	vld.idx.msk [tilespmem:v3+s23+$0x0], $0xffff;
	_ =	sdelay $0x4  }
0x16c: {  	v0 =	vsub.f32 v0, v63  }
0x16d: {  	s29 =	sand.u32 $0x1FFFFFE0, s26;
	p0 =	sne.s32 s28, $0xFF  }
.Ltmp0:
0x16e: {  	s29 =	sadd.s32 s6, s29;
	[tilespmem:$0x24F0] =	vst v0;
	(pc) =	sbr.rel @p0 .LBB2_2-.Ltmp0, $4  }
0x16f: {  	[hbm4b:s29+s3] =	stream.linear.scatter [tilespmem:s24], [sflag:$0x2], $0x100, $0x38;
	[tilespmem:$0x2B00] =	vst v63  }
0x170: {  	_ =	swait.ge [sflag:s13], $0x100  }
0x171: {  	[sflag:s13] =	ssyncset.done $0x0  }
0x172: {  	s26 =	sadd.s32 $0x20, s26;
	s28 =	sadd.s32 $0x1, s28;
	[sflag:s13] =	ssyncadd.s32 $0xFFFFFF00  }
0x173: {  	s25 =	sadd.s32 $0x1, s25  }
0x174: {  	p0 =	sne.s32 s25, s10  }
.Ltmp1:
0x175: {  	_ = 	snop;
	(pc) =	sbr.rel @p0 .LBB2_1-.Ltmp1, $1  }
0x176: {  	_ =	sdelay $0x3  }
0x177: {  	_ =	sfence.sel $0x180000  }
0x178: {  	[bflag:$0x0] =	sbarrier.arrive $0xFFFF  }
0x179: {  	p0 =	sne.s32 s0, $0x0;
	_ =	strace $0x90000047  }
0x17a: {  	s0 =	sadd.s32 @!p0 $0x100000, s1;
	[bflag:$0x2] =	sbarrier.arrive $0xFFFF  }
0x17b: {  	[sflag:s0] =	ssyncadd.tile.s32 @!p0 $0x1;
	_ =	shalt  }
.Lfunc_end2:
_tile_overlayer_lowered:
.L_overlay_start_2:
0x17c: {  	(tag) =	ssettag $0x2  }
0x17d: {  	s0 =	rddreg [dreg:$0x0];
	s2 =	stileid.u32  }
0x17e: {  	s1 =	rddreg [dreg:$0x1];
	p0 =	sne.s32 s2, $0x0  }
0x17f: {  	s3 =	rddreg [dreg:$0x2];
	[bflag:$0x3] =	sbarrier.arrive $0xFFFF;
	s2 =	simm.s32 @!p0 $0x1C02  }
0x180: {  	[timem:s3], [sflag:s2] =	dma.local @!p0 [hbm:s0], s1  }
0x181: {  	s0 =	simm.s32 @!p0 $0x2  }
0x182: {  	_ =	swait.ge @!p0 [sflag:s0], s1  }
0x183: {  	s1 =	ssub.s32 @!p0 $0x0, s1;
	[sflag:s0] =	ssyncset.done @!p0 $0x0  }
0x184: {  	[sflag:s0] =	ssyncadd.s32 @!p0 s1  }
0x185: {  	[bflag:$0x3] =	sbarrier.arrive $0xFFFF  }
0x186: {  	_ =	shalt  }

</sc_bundles>
